<compile_context>
chip_gen: v7x
topology: tpu7x:2x2x1
jax: 0.10.2.dev20260603
libtpu: 0.0.44.dev20260713+nightly
codegen_flags: <defaults>
</compile_context>

<pallas_src>
import functools

import numpy as np
import jax
import jax.numpy as jnp
from jax import lax
from jax.experimental import pallas as pl
from jax.experimental.pallas import tpu as pltpu
from jax.experimental.pallas import tpu_sc as plsc

T = 2048
NSEG = 64
REC = 144

_LIPS = np.array([61, 185, 40, 39, 37, 0, 267, 269, 270, 409, 291, 146, 91,
                  181, 84, 17, 314, 405, 321, 375, 78, 191, 80, 81, 82, 13,
                  312, 311, 310, 415, 95, 88, 178, 87, 14, 317, 402, 318,
                  324, 308], dtype=np.int32)

_SEG = ((np.arange(NSEG + 1, dtype=np.int64) * (T - 1)) // NSEG).astype(np.int32)
_SEGLEN = (_SEG[1:] - _SEG[:-1]).astype(np.float32)[:, None]

_e = np.arange(48)
_colA = np.where(_e < 42, 543 * (_e % 2) + 468 + _e // 2, 0).astype(np.int32)
_colB = np.where(_e < 42, 543 * (_e % 2) + 522 + _e // 2, 0).astype(np.int32)
_el = np.arange(80)
_colL = (543 * (_el % 2) + _LIPS[_el // 2]).astype(np.int32)
_ITAB = np.concatenate([_colA, _colB, _colL]).astype(np.int32)
_sA = np.where(_e < 42, np.where(_e % 2 == 0, 1.0, -1.0), 0.0)
_sB = np.where(_e < 42, -1.0, 0.0)
_K = np.where(_e < 42, np.where(_e % 2 == 0, 1.0, 2.0), 0.0)
_FTAB = np.concatenate([_sA, _sB, _K]).astype(np.float32)


@functools.partial(
    pl.kernel,
    mesh=plsc.VectorSubcoreMesh(core_axis_name="c", subcore_axis_name="s"),
    out_type=jax.ShapeDtypeStruct((32, 8, REC), jnp.float32),
    compiler_params=pltpu.CompilerParams(needs_layout_passes=False),
    scratch_types=[
        pltpu.VMEM((72, 1086), jnp.float32),
        pltpu.VMEM((176,), jnp.int32),
        pltpu.VMEM((144,), jnp.float32),
        pltpu.VMEM((8, REC), jnp.float32),
        pltpu.SemaphoreType.DMA,
        pltpu.SemaphoreType.DMA,
    ],
)
def _sc_segsums(frames_hbm, itab_hbm, ftab_hbm, out_hbm, slab, itab, ftab,
                stage, sem, sem2):
    wid = lax.axis_index("s") * 2 + lax.axis_index("c")
    s0 = (2 * wid * (T - 1)) // NSEG
    s1 = ((2 * wid + 1) * (T - 1)) // NSEG
    s2 = ((2 * wid + 2) * (T - 1)) // NSEG
    base = (s0 // 8) * 8
    off0 = s0 - base
    cp1 = pltpu.async_copy(frames_hbm.at[pl.ds(base, 40)], slab.at[pl.ds(0, 40)], sem)
    cp2 = pltpu.async_copy(frames_hbm.at[pl.ds(base + 40, 32)], slab.at[pl.ds(40, 32)], sem2)
    pltpu.sync_copy(itab_hbm, itab)
    pltpu.sync_copy(ftab_hbm, ftab)

    cols = [itab[pl.ds(16 * k, 16)] for k in range(11)]
    coef = [ftab[pl.ds(16 * k, 16)] for k in range(9)]
    cp1.wait()

    def frame_body(fl, carry):
        accs, cnt = carry[:8], carry[8]
        fvec = jnp.full((16,), fl, jnp.int32)
        vecs = []
        for c in range(3):
            a = plsc.load_gather(slab, [fvec, cols[c]])
            b = plsc.load_gather(slab, [fvec, cols[3 + c]])
            vecs.append(coef[c] * a + coef[3 + c] * b + coef[6 + c])
        for c in range(5):
            vecs.append(plsc.load_gather(slab, [fvec, cols[6 + c]]))
        hsum = jnp.sum(vecs[0] + vecs[1] + vecs[2])
        m = jnp.where(hsum != 0.0, jnp.float32(1.0), jnp.float32(0.0))
        new = tuple(acc + m * v for acc, v in zip(accs, vecs))
        return new + (cnt + m,)

    zero = jnp.zeros((16,), jnp.float32)
    init = (zero,) * 8 + (jnp.float32(0.0),)
    n1 = off0 + (s1 - s0)
    n2 = off0 + (s2 - s0)
    for j, (lo, hi) in enumerate(((off0, n1), (n1, n2))):
        res = lax.fori_loop(lo, hi, frame_body, init)
        for k in range(8):
            stage[j, pl.ds(16 * k, 16)] = res[k]
        stage[j, pl.ds(128, 16)] = jnp.full((16,), res[8], jnp.float32)
        if j == 0:
            cp2.wait()
    pltpu.sync_copy(stage, out_hbm.at[wid])


def _finalize_body(rec_ref, len_ref, out_ref):
    rec3 = rec_ref[...]
    rec = rec3[:, :2, :].reshape(64, REC)
    lenv = len_ref[...]
    cnt = rec[:, 128:129]
    hsum = rec[:, 0:42]
    lsum = rec[:, 48:128]
    tot_c = jnp.sum(cnt)
    tot_l = jnp.sum(lsum, axis=0, keepdims=True)
    col_mean = jnp.where(tot_c > 0.0, tot_l / jnp.maximum(tot_c, 1.0), 0.0)
    seg_hand = jnp.where(cnt > 0.0, hsum / jnp.maximum(cnt, 1.0), 0.0)
    seg_lips = (lsum + (lenv - cnt) * col_mean) / lenv
    row = jnp.concatenate([seg_hand, seg_lips], axis=1)
    keep = (jnp.sum(row, axis=1, keepdims=True) != 0.0).astype(jnp.float32)
    out_ref[...] = row * keep


_finalize = pl.pallas_call(
    _finalize_body,
    out_shape=jax.ShapeDtypeStruct((NSEG, 122), jnp.float32),
)


def kernel(frames):
    f2 = jnp.concatenate([frames[:, :, 0], frames[:, :, 1]], axis=1)
    rec = _sc_segsums(f2, jnp.asarray(_ITAB), jnp.asarray(_FTAB))
    return _finalize(rec, jnp.asarray(_SEGLEN))

# --- scband reference (transcript-rebuilt; emitter-appended) ---
"""Pipeline reference for scband-preprocess-51024211476487 (READ-ONLY COPY).

The authoritative reference and input builder live on the scoring server;
editing this copy changes nothing except your own understanding.
"""

import jax, jax.numpy as jnp
import numpy as np

NORMALIZED_LENGTH = 64
LIPS_IDX = np.array([61, 185, 40, 39, 37, 0, 267, 269, 270, 409, 291, 146, 91, 181, 84, 17, 314, 405, 321, 375, 78, 191, 80, 81, 82, 13, 312, 311, 310, 415, 95, 88, 178, 87, 14, 317, 402, 318, 324, 308], dtype=np.int32)


def nan_mean(x, axis=0, keepdims=True):
    m = jnp.isnan(x)
    num = jnp.sum(jnp.where(m, jnp.zeros_like(x), x), axis=axis, keepdims=keepdims)
    den = jnp.sum(jnp.where(m, jnp.zeros_like(x), jnp.ones_like(x)), axis=axis, keepdims=keepdims)
    return num / den


def setup_inputs(seed: int = 0):
    key = jax.random.key(seed)
    frames = jax.random.uniform(key, (2048, 543, 3), dtype=jnp.float32)
    return {"frames": frames}


def reference(frames):
    frames = frames[:, :, :2]
    lh_frames = frames[:, 468:489]
    rh_frames = frames[:, 522:]
    lh_x, lh_y = lh_frames[:, :, 0], lh_frames[:, :, 1]
    rh_x, rh_y = rh_frames[:, :, 0], rh_frames[:, :, 1]
    lh = jnp.stack([lh_x, 1.0 - lh_y], axis=-1)
    rh = jnp.stack([1.0 - rh_x, 1.0 - rh_y], axis=-1)
    hand = jnp.stack([lh, rh], axis=0)
    hand = jnp.where(jnp.isnan(hand), jnp.zeros_like(hand), hand)
    hand = jnp.sum(hand, axis=0)
    hands_mask = jnp.sum(hand, axis=(1, 2)) != 0.0
    hand = jnp.where(hands_mask[:, None, None], hand, jnp.nan)
    lips = jnp.take(frames, jnp.asarray(LIPS_IDX), axis=1)
    lips = jnp.where(hands_mask[:, None, None], lips, jnp.nan)
    lips = jnp.where(jnp.isnan(lips), nan_mean(lips, axis=0, keepdims=True), lips)
    lips = jnp.where(jnp.isnan(lips), jnp.zeros_like(lips), lips)
    raw_data = jnp.concatenate([hand, lips], axis=1)
    source_length = int(raw_data.shape[0])
    normalized_idx = np.linspace(0.0, float(source_length - 1), NORMALIZED_LENGTH + 1).astype(np.int32)
    sampled = []
    for idx in range(NORMALIZED_LENGTH):
        s, e = int(normalized_idx[idx]), int(normalized_idx[idx + 1])
        sample = raw_data[s:e]
        sampled.append(nan_mean(sample, axis=0, keepdims=True))
    sampled = jnp.concatenate(sampled, axis=0)
    sampled = sampled.reshape(sampled.shape[0], -1)
    sampled = jnp.where(jnp.isnan(sampled), jnp.zeros_like(sampled), sampled)
    keep = jnp.sum(sampled, axis=1) != 0.0
    sampled = sampled * keep[:, None]
    return sampled

if __name__ == "__main__":
    import jax
    _d = setup_inputs()
    print(jax.jit(kernel)(*tuple(_d.values())))

</pallas_src>

<mosaic_0001>
#map = affine_map<(d0, d1) -> (0, 0)>
#map1 = affine_map<(d0, d1) -> (0)>
#map2 = affine_map<(d0, d1) -> (0, 0, 0)>
module attributes {stable_mosaic.version = 14 : i64} {
  func.func @_sc_segsums(%arg0: i32, %arg1: i32, %arg2: memref<2048x1086xf32, #tpu.memory_space<hbm>>, %arg3: memref<176xi32, #tpu.memory_space<hbm>>, %arg4: memref<144xf32, #tpu.memory_space<hbm>>, %arg5: memref<32x8x144xf32, #tpu.memory_space<hbm>>, %arg6: memref<72x1086xf32, #tpu.memory_space<vmem>>, %arg7: memref<176xi32, #tpu.memory_space<vmem>>, %arg8: memref<144xf32, #tpu.memory_space<vmem>>, %arg9: memref<8x144xf32, #tpu.memory_space<vmem>>, %arg10: memref<!tpu.dma_semaphore, #tpu.memory_space<semaphore_mem>>, %arg11: memref<!tpu.dma_semaphore, #tpu.memory_space<semaphore_mem>>) attributes {dimension_semantics = [#tpu.dimension_semantics<core_parallel>, #tpu.dimension_semantics<subcore_parallel>], iteration_bounds = array<i64: 2, 16>, scalar_prefetch = 0 : i64, scratch_operands = 6 : i64, tpu.core_type = #tpu.core_type<sc_vector_subcore>, window_params = [{transform_indices = #map}, {transform_indices = #map1}, {transform_indices = #map1}, {transform_indices = #map2}]} {
    %mul3A = arith.constant 2 : i32
    %mul3A_0 = arith.muli %arg1, %mul3A : i32
    %add3A = arith.addi %mul3A_0, %arg0 : i32
    %mul3A_1 = arith.constant 2 : i32
    %mul3A_2 = arith.muli %mul3A_1, %add3A : i32
    %mul3A_3 = arith.constant 2047 : i32
    %mul3A_4 = arith.muli %mul3A_2, %mul3A_3 : i32
    %jit3A = arith.constant 64 : i32
    %div3A = arith.divsi %mul3A_4, %jit3A : i32
    %sign3A = arith.constant 0 : i32
    %sign3A_5 = arith.cmpi sgt, %mul3A_4, %sign3A : i32
    %sign3A_6 = arith.extui %sign3A_5 : i1 to i32
    %sign3A_7 = arith.constant 0 : i32
    %sign3A_8 = arith.cmpi slt, %mul3A_4, %sign3A_7 : i32
    %sign3A_9 = arith.extui %sign3A_8 : i1 to i32
    %sign3A_10 = arith.subi %sign3A_6, %sign3A_9 : i32
    %sign3A_11 = arith.constant 0 : i32
    %sign3A_12 = arith.cmpi sgt, %jit3A, %sign3A_11 : i32
    %sign3A_13 = arith.extui %sign3A_12 : i1 to i32
    %sign3A_14 = arith.constant 0 : i32
    %sign3A_15 = arith.cmpi slt, %jit3A, %sign3A_14 : i32
    %sign3A_16 = arith.extui %sign3A_15 : i1 to i32
    %sign3A_17 = arith.subi %sign3A_13, %sign3A_16 : i32
    %ne3A = arith.cmpi ne, %sign3A_10, %sign3A_17 : i32
    %rem3A = arith.remsi %mul3A_4, %jit3A : i32
    %ne3A_18 = arith.constant 0 : i32
    %ne3A_19 = arith.cmpi ne, %rem3A, %ne3A_18 : i32
    %and3A = arith.andi %ne3A, %ne3A_19 : i1
    %sub3A = arith.constant 1 : i32
    %sub3A_20 = arith.subi %div3A, %sub3A : i32
    %select_n3A = arith.select %and3A, %sub3A_20, %div3A : i32
    %mul3A_21 = arith.constant 2 : i32
    %mul3A_22 = arith.muli %mul3A_21, %add3A : i32
    %add3A_23 = arith.constant 1 : i32
    %add3A_24 = arith.addi %mul3A_22, %add3A_23 : i32
    %mul3A_25 = arith.constant 2047 : i32
    %mul3A_26 = arith.muli %add3A_24, %mul3A_25 : i32
    %jit3A_27 = arith.constant 64 : i32
    %div3A_28 = arith.divsi %mul3A_26, %jit3A_27 : i32
    %sign3A_29 = arith.constant 0 : i32
    %sign3A_30 = arith.cmpi sgt, %mul3A_26, %sign3A_29 : i32
    %sign3A_31 = arith.extui %sign3A_30 : i1 to i32
    %sign3A_32 = arith.constant 0 : i32
    %sign3A_33 = arith.cmpi slt, %mul3A_26, %sign3A_32 : i32
    %sign3A_34 = arith.extui %sign3A_33 : i1 to i32
    %sign3A_35 = arith.subi %sign3A_31, %sign3A_34 : i32
    %sign3A_36 = arith.constant 0 : i32
    %sign3A_37 = arith.cmpi sgt, %jit3A_27, %sign3A_36 : i32
    %sign3A_38 = arith.extui %sign3A_37 : i1 to i32
    %sign3A_39 = arith.constant 0 : i32
    %sign3A_40 = arith.cmpi slt, %jit3A_27, %sign3A_39 : i32
    %sign3A_41 = arith.extui %sign3A_40 : i1 to i32
    %sign3A_42 = arith.subi %sign3A_38, %sign3A_41 : i32
    %ne3A_43 = arith.cmpi ne, %sign3A_35, %sign3A_42 : i32
    %rem3A_44 = arith.remsi %mul3A_26, %jit3A_27 : i32
    %ne3A_45 = arith.constant 0 : i32
    %ne3A_46 = arith.cmpi ne, %rem3A_44, %ne3A_45 : i32
    %and3A_47 = arith.andi %ne3A_43, %ne3A_46 : i1
    %sub3A_48 = arith.constant 1 : i32
    %sub3A_49 = arith.subi %div3A_28, %sub3A_48 : i32
    %select_n3A_50 = arith.select %and3A_47, %sub3A_49, %div3A_28 : i32
    %mul3A_51 = arith.constant 2 : i32
    %mul3A_52 = arith.muli %mul3A_51, %add3A : i32
    %add3A_53 = arith.constant 2 : i32
    %add3A_54 = arith.addi %mul3A_52, %add3A_53 : i32
    %mul3A_55 = arith.constant 2047 : i32
    %mul3A_56 = arith.muli %add3A_54, %mul3A_55 : i32
    %jit3A_57 = arith.constant 64 : i32
    %div3A_58 = arith.divsi %mul3A_56, %jit3A_57 : i32
    %sign3A_59 = arith.constant 0 : i32
    %sign3A_60 = arith.cmpi sgt, %mul3A_56, %sign3A_59 : i32
    %sign3A_61 = arith.extui %sign3A_60 : i1 to i32
    %sign3A_62 = arith.constant 0 : i32
    %sign3A_63 = arith.cmpi slt, %mul3A_56, %sign3A_62 : i32
    %sign3A_64 = arith.extui %sign3A_63 : i1 to i32
    %sign3A_65 = arith.subi %sign3A_61, %sign3A_64 : i32
    %sign3A_66 = arith.constant 0 : i32
    %sign3A_67 = arith.cmpi sgt, %jit3A_57, %sign3A_66 : i32
    %sign3A_68 = arith.extui %sign3A_67 : i1 to i32
    %sign3A_69 = arith.constant 0 : i32
    %sign3A_70 = arith.cmpi slt, %jit3A_57, %sign3A_69 : i32
    %sign3A_71 = arith.extui %sign3A_70 : i1 to i32
    %sign3A_72 = arith.subi %sign3A_68, %sign3A_71 : i32
    %ne3A_73 = arith.cmpi ne, %sign3A_65, %sign3A_72 : i32
    %rem3A_74 = arith.remsi %mul3A_56, %jit3A_57 : i32
    %ne3A_75 = arith.constant 0 : i32
    %ne3A_76 = arith.cmpi ne, %rem3A_74, %ne3A_75 : i32
    %and3A_77 = arith.andi %ne3A_73, %ne3A_76 : i1
    %sub3A_78 = arith.constant 1 : i32
    %sub3A_79 = arith.subi %div3A_58, %sub3A_78 : i32
    %select_n3A_80 = arith.select %and3A_77, %sub3A_79, %div3A_58 : i32
    %jit3A_81 = arith.constant 8 : i32
    %div3A_82 = arith.divsi %select_n3A, %jit3A_81 : i32
    %sign3A_83 = arith.constant 0 : i32
    %sign3A_84 = arith.cmpi sgt, %select_n3A, %sign3A_83 : i32
    %sign3A_85 = arith.extui %sign3A_84 : i1 to i32
    %sign3A_86 = arith.constant 0 : i32
    %sign3A_87 = arith.cmpi slt, %select_n3A, %sign3A_86 : i32
    %sign3A_88 = arith.extui %sign3A_87 : i1 to i32
    %sign3A_89 = arith.subi %sign3A_85, %sign3A_88 : i32
    %sign3A_90 = arith.constant 0 : i32
    %sign3A_91 = arith.cmpi sgt, %jit3A_81, %sign3A_90 : i32
    %sign3A_92 = arith.extui %sign3A_91 : i1 to i32
    %sign3A_93 = arith.constant 0 : i32
    %sign3A_94 = arith.cmpi slt, %jit3A_81, %sign3A_93 : i32
    %sign3A_95 = arith.extui %sign3A_94 : i1 to i32
    %sign3A_96 = arith.subi %sign3A_92, %sign3A_95 : i32
    %ne3A_97 = arith.cmpi ne, %sign3A_89, %sign3A_96 : i32
    %rem3A_98 = arith.remsi %select_n3A, %jit3A_81 : i32
    %ne3A_99 = arith.constant 0 : i32
    %ne3A_100 = arith.cmpi ne, %rem3A_98, %ne3A_99 : i32
    %and3A_101 = arith.andi %ne3A_97, %ne3A_100 : i1
    %sub3A_102 = arith.constant 1 : i32
    %sub3A_103 = arith.subi %div3A_82, %sub3A_102 : i32
    %select_n3A_104 = arith.select %and3A_101, %sub3A_103, %div3A_82 : i32
    %mul3A_105 = arith.constant 8 : i32
    %mul3A_106 = arith.muli %select_n3A_104, %mul3A_105 : i32
    %sub3A_107 = arith.subi %select_n3A, %mul3A_106 : i32
    %dma_start3A = arith.constant 0 : i32
    %dma_start3A_108 = arith.constant 0 : i32
    %dma_start3A_109 = tpu.memref_slice %arg6[%dma_start3A, %dma_start3A_108] : memref<72x1086xf32, #tpu.memory_space<vmem>> -> memref<40x1086xf32, #tpu.memory_space<vmem>>
    %dma_start3A_110 = arith.constant 0 : i32
    %dma_start3A_111 = tpu.memref_slice %arg2[%mul3A_106, %dma_start3A_110] : memref<2048x1086xf32, #tpu.memory_space<hbm>> -> memref<40x1086xf32, #tpu.memory_space<hbm>>
    %dma_start3A_112 = arith.constant 0 : i32
    %dma_start3A_113 = arith.constant 0 : i32
    %dma_start3A_114 = tpu.memref_slice %arg6[%dma_start3A_112, %dma_start3A_113] : memref<72x1086xf32, #tpu.memory_space<vmem>> -> memref<40x1086xf32, #tpu.memory_space<vmem>>
    %dma_start3A_115 = arith.constant 0 : i32
    %dma_start3A_116 = tpu.memref_slice %arg2[%mul3A_106, %dma_start3A_115] : memref<2048x1086xf32, #tpu.memory_space<hbm>> -> memref<40x1086xf32, #tpu.memory_space<hbm>>
    tpu.enqueue_dma source(%dma_start3A_116 : memref<40x1086xf32, #tpu.memory_space<hbm>>) target(%dma_start3A_114 : memref<40x1086xf32, #tpu.memory_space<vmem>>) target_semaphore(%arg10 : memref<!tpu.dma_semaphore, #tpu.memory_space<semaphore_mem>>)
    %add3A_117 = arith.constant 40 : i32
    %add3A_118 = arith.addi %mul3A_106, %add3A_117 : i32
    %dma_start3A_119 = arith.constant 40 : i32
    %dma_start3A_120 = arith.constant 0 : i32
    %dma_start3A_121 = tpu.memref_slice %arg6[%dma_start3A_119, %dma_start3A_120] : memref<72x1086xf32, #tpu.memory_space<vmem>> -> memref<32x1086xf32, #tpu.memory_space<vmem>>
    %dma_start3A_122 = arith.constant 0 : i32
    %dma_start3A_123 = tpu.memref_slice %arg2[%add3A_118, %dma_start3A_122] : memref<2048x1086xf32, #tpu.memory_space<hbm>> -> memref<32x1086xf32, #tpu.memory_space<hbm>>
    %dma_start3A_124 = arith.constant 40 : i32
    %dma_start3A_125 = arith.constant 0 : i32
    %dma_start3A_126 = tpu.memref_slice %arg6[%dma_start3A_124, %dma_start3A_125] : memref<72x1086xf32, #tpu.memory_space<vmem>> -> memref<32x1086xf32, #tpu.memory_space<vmem>>
    %dma_start3A_127 = arith.constant 0 : i32
    %dma_start3A_128 = tpu.memref_slice %arg2[%add3A_118, %dma_start3A_127] : memref<2048x1086xf32, #tpu.memory_space<hbm>> -> memref<32x1086xf32, #tpu.memory_space<hbm>>
    tpu.enqueue_dma source(%dma_start3A_128 : memref<32x1086xf32, #tpu.memory_space<hbm>>) target(%dma_start3A_126 : memref<32x1086xf32, #tpu.memory_space<vmem>>) target_semaphore(%arg11 : memref<!tpu.dma_semaphore, #tpu.memory_space<semaphore_mem>>)
    "tpu.region"() ({
      %run_scoped3A = tpu.sem_alloc : memref<!tpu.dma_semaphore, #tpu.memory_space<semaphore_mem>>
      tpu.enqueue_dma source(%arg3 : memref<176xi32, #tpu.memory_space<hbm>>) target(%arg7 : memref<176xi32, #tpu.memory_space<vmem>>) target_semaphore(%run_scoped3A : memref<!tpu.dma_semaphore, #tpu.memory_space<semaphore_mem>>)
      tpu.wait_dma2 semaphore(%run_scoped3A : memref<!tpu.dma_semaphore, #tpu.memory_space<semaphore_mem>>) src(%arg3 : memref<176xi32, #tpu.memory_space<hbm>>) dst(%arg7 : memref<176xi32, #tpu.memory_space<vmem>>)
      tpu.yield
    }) : () -> ()
    "tpu.region"() ({
      %run_scoped3A = tpu.sem_alloc : memref<!tpu.dma_semaphore, #tpu.memory_space<semaphore_mem>>
      tpu.enqueue_dma source(%arg4 : memref<144xf32, #tpu.memory_space<hbm>>) target(%arg8 : memref<144xf32, #tpu.memory_space<vmem>>) target_semaphore(%run_scoped3A : memref<!tpu.dma_semaphore, #tpu.memory_space<semaphore_mem>>)
      tpu.wait_dma2 semaphore(%run_scoped3A : memref<!tpu.dma_semaphore, #tpu.memory_space<semaphore_mem>>) src(%arg4 : memref<144xf32, #tpu.memory_space<hbm>>) dst(%arg8 : memref<144xf32, #tpu.memory_space<vmem>>)
      tpu.yield
    }) : () -> ()
    %get3A = arith.constant 0 : index
    %get3A_129 = tpu.vector_load %arg7[%get3A] {strides = array<i32>} : memref<176xi32, #tpu.memory_space<vmem>>, vector<16xi32>,
    %get3A_130 = arith.constant 16 : index
    %get3A_131 = tpu.vector_load %arg7[%get3A_130] {strides = array<i32>} : memref<176xi32, #tpu.memory_space<vmem>>, vector<16xi32>,
    %get3A_132 = arith.constant 32 : index
    %get3A_133 = tpu.vector_load %arg7[%get3A_132] {strides = array<i32>} : memref<176xi32, #tpu.memory_space<vmem>>, vector<16xi32>,
    %get3A_134 = arith.constant 48 : index
    %get3A_135 = tpu.vector_load %arg7[%get3A_134] {strides = array<i32>} : memref<176xi32, #tpu.memory_space<vmem>>, vector<16xi32>,
    %get3A_136 = arith.constant 64 : index
    %get3A_137 = tpu.vector_load %arg7[%get3A_136] {strides = array<i32>} : memref<176xi32, #tpu.memory_space<vmem>>, vector<16xi32>,
    %get3A_138 = arith.constant 80 : index
    %get3A_139 = tpu.vector_load %arg7[%get3A_138] {strides = array<i32>} : memref<176xi32, #tpu.memory_space<vmem>>, vector<16xi32>,
    %get3A_140 = arith.constant 96 : index
    %get3A_141 = tpu.vector_load %arg7[%get3A_140] {strides = array<i32>} : memref<176xi32, #tpu.memory_space<vmem>>, vector<16xi32>,
    %get3A_142 = arith.constant 112 : index
    %get3A_143 = tpu.vector_load %arg7[%get3A_142] {strides = array<i32>} : memref<176xi32, #tpu.memory_space<vmem>>, vector<16xi32>,
    %get3A_144 = arith.constant 128 : index
    %get3A_145 = tpu.vector_load %arg7[%get3A_144] {strides = array<i32>} : memref<176xi32, #tpu.memory_space<vmem>>, vector<16xi32>,
    %get3A_146 = arith.constant 144 : index
    %get3A_147 = tpu.vector_load %arg7[%get3A_146] {strides = array<i32>} : memref<176xi32, #tpu.memory_space<vmem>>, vector<16xi32>,
    %get3A_148 = arith.constant 160 : index
    %get3A_149 = tpu.vector_load %arg7[%get3A_148] {strides = array<i32>} : memref<176xi32, #tpu.memory_space<vmem>>, vector<16xi32>,
    %get3A_150 = arith.constant 0 : index
    %get3A_151 = tpu.vector_load %arg8[%get3A_150] {strides = array<i32>} : memref<144xf32, #tpu.memory_space<vmem>>, vector<16xf32>,
    %get3A_152 = arith.constant 16 : index
    %get3A_153 = tpu.vector_load %arg8[%get3A_152] {strides = array<i32>} : memref<144xf32, #tpu.memory_space<vmem>>, vector<16xf32>,
    %get3A_154 = arith.constant 32 : index
    %get3A_155 = tpu.vector_load %arg8[%get3A_154] {strides = array<i32>} : memref<144xf32, #tpu.memory_space<vmem>>, vector<16xf32>,
    %get3A_156 = arith.constant 48 : index
    %get3A_157 = tpu.vector_load %arg8[%get3A_156] {strides = array<i32>} : memref<144xf32, #tpu.memory_space<vmem>>, vector<16xf32>,
    %get3A_158 = arith.constant 64 : index
    %get3A_159 = tpu.vector_load %arg8[%get3A_158] {strides = array<i32>} : memref<144xf32, #tpu.memory_space<vmem>>, vector<16xf32>,
    %get3A_160 = arith.constant 80 : index
    %get3A_161 = tpu.vector_load %arg8[%get3A_160] {strides = array<i32>} : memref<144xf32, #tpu.memory_space<vmem>>, vector<16xf32>,
    %get3A_162 = arith.constant 96 : index
    %get3A_163 = tpu.vector_load %arg8[%get3A_162] {strides = array<i32>} : memref<144xf32, #tpu.memory_space<vmem>>, vector<16xf32>,
    %get3A_164 = arith.constant 112 : index
    %get3A_165 = tpu.vector_load %arg8[%get3A_164] {strides = array<i32>} : memref<144xf32, #tpu.memory_space<vmem>>, vector<16xf32>,
    %get3A_166 = arith.constant 128 : index
    %get3A_167 = tpu.vector_load %arg8[%get3A_166] {strides = array<i32>} : memref<144xf32, #tpu.memory_space<vmem>>, vector<16xf32>,
    %dma_wait3A = arith.constant 0 : i32
    %dma_wait3A_168 = arith.constant 0 : i32
    %dma_wait3A_169 = tpu.memref_slice %arg6[%dma_wait3A, %dma_wait3A_168] : memref<72x1086xf32, #tpu.memory_space<vmem>> -> memref<40x1086xf32, #tpu.memory_space<vmem>>
    %dma_wait3A_170 = arith.constant 0 : i32
    %dma_wait3A_171 = tpu.memref_slice %arg2[%mul3A_106, %dma_wait3A_170] : memref<2048x1086xf32, #tpu.memory_space<hbm>> -> memref<40x1086xf32, #tpu.memory_space<hbm>>
    %dma_wait3A_172 = arith.constant 0 : i32
    %dma_wait3A_173 = arith.constant 0 : i32
    %dma_wait3A_174 = tpu.memref_slice %arg6[%dma_wait3A_172, %dma_wait3A_173] : memref<72x1086xf32, #tpu.memory_space<vmem>> -> memref<40x1086xf32, #tpu.memory_space<vmem>>
    %dma_wait3A_175 = arith.constant 0 : i32
    %dma_wait3A_176 = tpu.memref_slice %arg2[%mul3A_106, %dma_wait3A_175] : memref<2048x1086xf32, #tpu.memory_space<hbm>> -> memref<40x1086xf32, #tpu.memory_space<hbm>>
    tpu.wait_dma2 semaphore(%arg10 : memref<!tpu.dma_semaphore, #tpu.memory_space<semaphore_mem>>) src(%dma_wait3A_176 : memref<40x1086xf32, #tpu.memory_space<hbm>>) dst(%dma_wait3A_174 : memref<40x1086xf32, #tpu.memory_space<vmem>>)
    %broadcast_in_dim3A = arith.constant 0.000000e+00 : f32
    %broadcast_in_dim3A_177 = vector.broadcast %broadcast_in_dim3A : f32 to vector<16xf32>
    %sub3A_178 = arith.subi %select_n3A_50, %select_n3A : i32
    %add3A_179 = arith.addi %sub3A_107, %sub3A_178 : i32
    %sub3A_180 = arith.subi %select_n3A_80, %select_n3A : i32
    %add3A_181 = arith.addi %sub3A_107, %sub3A_180 : i32
    %while3A = arith.constant 0.000000e+00 : f32
    %while3A_182 = arith.subi %add3A_179, %sub3A_107 : i32
    %while3A_183 = arith.addi %sub3A_107, %while3A_182 : i32
    %while3A_184 = arith.constant 1 : i32
    %while3A_185 = arith.divsi %while3A_182, %while3A_184 : i32
    %while3A_186 = arith.muli %while3A_185, %while3A_184 : i32
    %while3A_187 = arith.addi %sub3A_107, %while3A_186 : i32
    %while3A_188 = arith.constant 1 : i32
    %while3A_189:9 = scf.for %while3A_286 = %sub3A_107 to %while3A_187 step %while3A_188 iter_args(%while3A_287 = %broadcast_in_dim3A_177, %while3A_288 = %broadcast_in_dim3A_177, %while3A_289 = %broadcast_in_dim3A_177, %while3A_290 = %broadcast_in_dim3A_177, %while3A_291 = %broadcast_in_dim3A_177, %while3A_292 = %broadcast_in_dim3A_177, %while3A_293 = %broadcast_in_dim3A_177, %while3A_294 = %broadcast_in_dim3A_177, %while3A_295 = %while3A) -> (vector<16xf32>, vector<16xf32>, vector<16xf32>, vector<16xf32>, vector<16xf32>, vector<16xf32>, vector<16xf32>, vector<16xf32>, f32)  : i32 {
      %broadcast_in_dim3A_296 = vector.broadcast %while3A_286 : i32 to vector<16xi32>
      %gather3A = tpu.vector_load_idx %arg6[%broadcast_in_dim3A_296, %get3A_129] : memref<72x1086xf32, #tpu.memory_space<vmem>>[vector<16xi32>, vector<16xi32>], vector<16xf32>,
      %gather3A_297 = tpu.vector_load_idx %arg6[%broadcast_in_dim3A_296, %get3A_135] : memref<72x1086xf32, #tpu.memory_space<vmem>>[vector<16xi32>, vector<16xi32>], vector<16xf32>,
      %mul3A_298 = arith.mulf %get3A_151, %gather3A : vector<16xf32>
      %mul3A_299 = arith.mulf %get3A_157, %gather3A_297 : vector<16xf32>
      %add3A_300 = arith.addf %mul3A_298, %mul3A_299 : vector<16xf32>
      %add3A_301 = arith.addf %add3A_300, %get3A_163 : vector<16xf32>
      %gather3A_302 = tpu.vector_load_idx %arg6[%broadcast_in_dim3A_296, %get3A_131] : memref<72x1086xf32, #tpu.memory_space<vmem>>[vector<16xi32>, vector<16xi32>], vector<16xf32>,
      %gather3A_303 = tpu.vector_load_idx %arg6[%broadcast_in_dim3A_296, %get3A_137] : memref<72x1086xf32, #tpu.memory_space<vmem>>[vector<16xi32>, vector<16xi32>], vector<16xf32>,
      %mul3A_304 = arith.mulf %get3A_153, %gather3A_302 : vector<16xf32>
      %mul3A_305 = arith.mulf %get3A_159, %gather3A_303 : vector<16xf32>
      %add3A_306 = arith.addf %mul3A_304, %mul3A_305 : vector<16xf32>
      %add3A_307 = arith.addf %add3A_306, %get3A_165 : vector<16xf32>
      %gather3A_308 = tpu.vector_load_idx %arg6[%broadcast_in_dim3A_296, %get3A_133] : memref<72x1086xf32, #tpu.memory_space<vmem>>[vector<16xi32>, vector<16xi32>], vector<16xf32>,
      %gather3A_309 = tpu.vector_load_idx %arg6[%broadcast_in_dim3A_296, %get3A_139] : memref<72x1086xf32, #tpu.memory_space<vmem>>[vector<16xi32>, vector<16xi32>], vector<16xf32>,
      %mul3A_310 = arith.mulf %get3A_155, %gather3A_308 : vector<16xf32>
      %mul3A_311 = arith.mulf %get3A_161, %gather3A_309 : vector<16xf32>
      %add3A_312 = arith.addf %mul3A_310, %mul3A_311 : vector<16xf32>
      %add3A_313 = arith.addf %add3A_312, %get3A_167 : vector<16xf32>
      %gather3A_314 = tpu.vector_load_idx %arg6[%broadcast_in_dim3A_296, %get3A_141] : memref<72x1086xf32, #tpu.memory_space<vmem>>[vector<16xi32>, vector<16xi32>], vector<16xf32>,
      %gather3A_315 = tpu.vector_load_idx %arg6[%broadcast_in_dim3A_296, %get3A_143] : memref<72x1086xf32, #tpu.memory_space<vmem>>[vector<16xi32>, vector<16xi32>], vector<16xf32>,
      %gather3A_316 = tpu.vector_load_idx %arg6[%broadcast_in_dim3A_296, %get3A_145] : memref<72x1086xf32, #tpu.memory_space<vmem>>[vector<16xi32>, vector<16xi32>], vector<16xf32>,
      %gather3A_317 = tpu.vector_load_idx %arg6[%broadcast_in_dim3A_296, %get3A_147] : memref<72x1086xf32, #tpu.memory_space<vmem>>[vector<16xi32>, vector<16xi32>], vector<16xf32>,
      %gather3A_318 = tpu.vector_load_idx %arg6[%broadcast_in_dim3A_296, %get3A_149] : memref<72x1086xf32, #tpu.memory_space<vmem>>[vector<16xi32>, vector<16xi32>], vector<16xf32>,
      %add3A_319 = arith.addf %add3A_301, %add3A_307 : vector<16xf32>
      %add3A_320 = arith.addf %add3A_319, %add3A_313 : vector<16xf32>
      %reduce_sum3A = arith.constant true
      %reduce_sum3A_321 = vector.broadcast %reduce_sum3A : i1 to vector<16xi1>
      %reduce_sum3A_322 = tpu.scan <sum>, %add3A_320 masked %reduce_sum3A_321 : vector<16xf32>, vector<16xi1> -> vector<16xf32>
      %reduce_sum3A_323 = vector.extract %reduce_sum3A_322[15] : f32 from vector<16xf32>
      %ne3A_324 = arith.constant 0.000000e+00 : f32
      %ne3A_325 = arith.cmpf one, %reduce_sum3A_323, %ne3A_324 : f32
      %jit3A_326 = arith.constant 1.000000e+00 : f32
      %jit3A_327 = arith.constant 0.000000e+00 : f32
      %select_n3A_328 = arith.select %ne3A_325, %jit3A_326, %jit3A_327 : f32
      %mul3A_329 = vector.broadcast %select_n3A_328 : f32 to vector<16xf32>
      %mul3A_330 = arith.mulf %mul3A_329, %add3A_301 : vector<16xf32>
      %add3A_331 = arith.addf %while3A_287, %mul3A_330 : vector<16xf32>
      %mul3A_332 = vector.broadcast %select_n3A_328 : f32 to vector<16xf32>
      %mul3A_333 = arith.mulf %mul3A_332, %add3A_307 : vector<16xf32>
      %add3A_334 = arith.addf %while3A_288, %mul3A_333 : vector<16xf32>
      %mul3A_335 = vector.broadcast %select_n3A_328 : f32 to vector<16xf32>
      %mul3A_336 = arith.mulf %mul3A_335, %add3A_313 : vector<16xf32>
      %add3A_337 = arith.addf %while3A_289, %mul3A_336 : vector<16xf32>
      %mul3A_338 = vector.broadcast %select_n3A_328 : f32 to vector<16xf32>
      %mul3A_339 = arith.mulf %mul3A_338, %gather3A_314 : vector<16xf32>
      %add3A_340 = arith.addf %while3A_290, %mul3A_339 : vector<16xf32>
      %mul3A_341 = vector.broadcast %select_n3A_328 : f32 to vector<16xf32>
      %mul3A_342 = arith.mulf %mul3A_341, %gather3A_315 : vector<16xf32>
      %add3A_343 = arith.addf %while3A_291, %mul3A_342 : vector<16xf32>
      %mul3A_344 = vector.broadcast %select_n3A_328 : f32 to vector<16xf32>
      %mul3A_345 = arith.mulf %mul3A_344, %gather3A_316 : vector<16xf32>
      %add3A_346 = arith.addf %while3A_292, %mul3A_345 : vector<16xf32>
      %mul3A_347 = vector.broadcast %select_n3A_328 : f32 to vector<16xf32>
      %mul3A_348 = arith.mulf %mul3A_347, %gather3A_317 : vector<16xf32>
      %add3A_349 = arith.addf %while3A_293, %mul3A_348 : vector<16xf32>
      %mul3A_350 = vector.broadcast %select_n3A_328 : f32 to vector<16xf32>
      %mul3A_351 = arith.mulf %mul3A_350, %gather3A_318 : vector<16xf32>
      %add3A_352 = arith.addf %while3A_294, %mul3A_351 : vector<16xf32>
      %add3A_353 = arith.addf %while3A_295, %select_n3A_328 : f32
      scf.yield %add3A_331, %add3A_334, %add3A_337, %add3A_340, %add3A_343, %add3A_346, %add3A_349, %add3A_352, %add3A_353 : vector<16xf32>, vector<16xf32>, vector<16xf32>, vector<16xf32>, vector<16xf32>, vector<16xf32>, vector<16xf32>, vector<16xf32>, f32
    }
    %while3A_190 = arith.constant 1 : i32
    %while3A_191:9 = scf.for %while3A_286 = %while3A_187 to %while3A_183 step %while3A_190 iter_args(%while3A_287 = %while3A_189#0, %while3A_288 = %while3A_189#1, %while3A_289 = %while3A_189#2, %while3A_290 = %while3A_189#3, %while3A_291 = %while3A_189#4, %while3A_292 = %while3A_189#5, %while3A_293 = %while3A_189#6, %while3A_294 = %while3A_189#7, %while3A_295 = %while3A_189#8) -> (vector<16xf32>, vector<16xf32>, vector<16xf32>, vector<16xf32>, vector<16xf32>, vector<16xf32>, vector<16xf32>, vector<16xf32>, f32)  : i32 {
      %broadcast_in_dim3A_296 = vector.broadcast %while3A_286 : i32 to vector<16xi32>
      %gather3A = tpu.vector_load_idx %arg6[%broadcast_in_dim3A_296, %get3A_129] : memref<72x1086xf32, #tpu.memory_space<vmem>>[vector<16xi32>, vector<16xi32>], vector<16xf32>,
      %gather3A_297 = tpu.vector_load_idx %arg6[%broadcast_in_dim3A_296, %get3A_135] : memref<72x1086xf32, #tpu.memory_space<vmem>>[vector<16xi32>, vector<16xi32>], vector<16xf32>,
      %mul3A_298 = arith.mulf %get3A_151, %gather3A : vector<16xf32>
      %mul3A_299 = arith.mulf %get3A_157, %gather3A_297 : vector<16xf32>
      %add3A_300 = arith.addf %mul3A_298, %mul3A_299 : vector<16xf32>
      %add3A_301 = arith.addf %add3A_300, %get3A_163 : vector<16xf32>
      %gather3A_302 = tpu.vector_load_idx %arg6[%broadcast_in_dim3A_296, %get3A_131] : memref<72x1086xf32, #tpu.memory_space<vmem>>[vector<16xi32>, vector<16xi32>], vector<16xf32>,
      %gather3A_303 = tpu.vector_load_idx %arg6[%broadcast_in_dim3A_296, %get3A_137] : memref<72x1086xf32, #tpu.memory_space<vmem>>[vector<16xi32>, vector<16xi32>], vector<16xf32>,
      %mul3A_304 = arith.mulf %get3A_153, %gather3A_302 : vector<16xf32>
      %mul3A_305 = arith.mulf %get3A_159, %gather3A_303 : vector<16xf32>
      %add3A_306 = arith.addf %mul3A_304, %mul3A_305 : vector<16xf32>
      %add3A_307 = arith.addf %add3A_306, %get3A_165 : vector<16xf32>
      %gather3A_308 = tpu.vector_load_idx %arg6[%broadcast_in_dim3A_296, %get3A_133] : memref<72x1086xf32, #tpu.memory_space<vmem>>[vector<16xi32>, vector<16xi32>], vector<16xf32>,
      %gather3A_309 = tpu.vector_load_idx %arg6[%broadcast_in_dim3A_296, %get3A_139] : memref<72x1086xf32, #tpu.memory_space<vmem>>[vector<16xi32>, vector<16xi32>], vector<16xf32>,
      %mul3A_310 = arith.mulf %get3A_155, %gather3A_308 : vector<16xf32>
      %mul3A_311 = arith.mulf %get3A_161, %gather3A_309 : vector<16xf32>
      %add3A_312 = arith.addf %mul3A_310, %mul3A_311 : vector<16xf32>
      %add3A_313 = arith.addf %add3A_312, %get3A_167 : vector<16xf32>
      %gather3A_314 = tpu.vector_load_idx %arg6[%broadcast_in_dim3A_296, %get3A_141] : memref<72x1086xf32, #tpu.memory_space<vmem>>[vector<16xi32>, vector<16xi32>], vector<16xf32>,
      %gather3A_315 = tpu.vector_load_idx %arg6[%broadcast_in_dim3A_296, %get3A_143] : memref<72x1086xf32, #tpu.memory_space<vmem>>[vector<16xi32>, vector<16xi32>], vector<16xf32>,
      %gather3A_316 = tpu.vector_load_idx %arg6[%broadcast_in_dim3A_296, %get3A_145] : memref<72x1086xf32, #tpu.memory_space<vmem>>[vector<16xi32>, vector<16xi32>], vector<16xf32>,
      %gather3A_317 = tpu.vector_load_idx %arg6[%broadcast_in_dim3A_296, %get3A_147] : memref<72x1086xf32, #tpu.memory_space<vmem>>[vector<16xi32>, vector<16xi32>], vector<16xf32>,
      %gather3A_318 = tpu.vector_load_idx %arg6[%broadcast_in_dim3A_296, %get3A_149] : memref<72x1086xf32, #tpu.memory_space<vmem>>[vector<16xi32>, vector<16xi32>], vector<16xf32>,
      %add3A_319 = arith.addf %add3A_301, %add3A_307 : vector<16xf32>
      %add3A_320 = arith.addf %add3A_319, %add3A_313 : vector<16xf32>
      %reduce_sum3A = arith.constant true
      %reduce_sum3A_321 = vector.broadcast %reduce_sum3A : i1 to vector<16xi1>
      %reduce_sum3A_322 = tpu.scan <sum>, %add3A_320 masked %reduce_sum3A_321 : vector<16xf32>, vector<16xi1> -> vector<16xf32>
      %reduce_sum3A_323 = vector.extract %reduce_sum3A_322[15] : f32 from vector<16xf32>
      %ne3A_324 = arith.constant 0.000000e+00 : f32
      %ne3A_325 = arith.cmpf one, %reduce_sum3A_323, %ne3A_324 : f32
      %jit3A_326 = arith.constant 1.000000e+00 : f32
      %jit3A_327 = arith.constant 0.000000e+00 : f32
      %select_n3A_328 = arith.select %ne3A_325, %jit3A_326, %jit3A_327 : f32
      %mul3A_329 = vector.broadcast %select_n3A_328 : f32 to vector<16xf32>
      %mul3A_330 = arith.mulf %mul3A_329, %add3A_301 : vector<16xf32>
      %add3A_331 = arith.addf %while3A_287, %mul3A_330 : vector<16xf32>
      %mul3A_332 = vector.broadcast %select_n3A_328 : f32 to vector<16xf32>
      %mul3A_333 = arith.mulf %mul3A_332, %add3A_307 : vector<16xf32>
      %add3A_334 = arith.addf %while3A_288, %mul3A_333 : vector<16xf32>
      %mul3A_335 = vector.broadcast %select_n3A_328 : f32 to vector<16xf32>
      %mul3A_336 = arith.mulf %mul3A_335, %add3A_313 : vector<16xf32>
      %add3A_337 = arith.addf %while3A_289, %mul3A_336 : vector<16xf32>
      %mul3A_338 = vector.broadcast %select_n3A_328 : f32 to vector<16xf32>
      %mul3A_339 = arith.mulf %mul3A_338, %gather3A_314 : vector<16xf32>
      %add3A_340 = arith.addf %while3A_290, %mul3A_339 : vector<16xf32>
      %mul3A_341 = vector.broadcast %select_n3A_328 : f32 to vector<16xf32>
      %mul3A_342 = arith.mulf %mul3A_341, %gather3A_315 : vector<16xf32>
      %add3A_343 = arith.addf %while3A_291, %mul3A_342 : vector<16xf32>
      %mul3A_344 = vector.broadcast %select_n3A_328 : f32 to vector<16xf32>
      %mul3A_345 = arith.mulf %mul3A_344, %gather3A_316 : vector<16xf32>
      %add3A_346 = arith.addf %while3A_292, %mul3A_345 : vector<16xf32>
      %mul3A_347 = vector.broadcast %select_n3A_328 : f32 to vector<16xf32>
      %mul3A_348 = arith.mulf %mul3A_347, %gather3A_317 : vector<16xf32>
      %add3A_349 = arith.addf %while3A_293, %mul3A_348 : vector<16xf32>
      %mul3A_350 = vector.broadcast %select_n3A_328 : f32 to vector<16xf32>
      %mul3A_351 = arith.mulf %mul3A_350, %gather3A_318 : vector<16xf32>
      %add3A_352 = arith.addf %while3A_294, %mul3A_351 : vector<16xf32>
      %add3A_353 = arith.addf %while3A_295, %select_n3A_328 : f32
      scf.yield %add3A_331, %add3A_334, %add3A_337, %add3A_340, %add3A_343, %add3A_346, %add3A_349, %add3A_352, %add3A_353 : vector<16xf32>, vector<16xf32>, vector<16xf32>, vector<16xf32>, vector<16xf32>, vector<16xf32>, vector<16xf32>, vector<16xf32>, f32
    }
    %swap3A = arith.constant 0 : i32
    %swap3A_192 = arith.index_cast %swap3A : i32 to index
    %swap3A_193 = arith.constant 0 : index
    %swap3A_194 = tpu.vector_load %arg9[%swap3A_192, %swap3A_193] {strides = array<i32>} : memref<8x144xf32, #tpu.memory_space<vmem>>, vector<16xf32>,
    tpu.vector_store %arg9[%swap3A_192, %swap3A_193], %while3A_191#0 {strides = array<i32>} : memref<8x144xf32, #tpu.memory_space<vmem>>, vector<16xf32>,
    %swap3A_195 = arith.constant 0 : i32
    %swap3A_196 = arith.index_cast %swap3A_195 : i32 to index
    %swap3A_197 = arith.constant 16 : index
    %swap3A_198 = tpu.vector_load %arg9[%swap3A_196, %swap3A_197] {strides = array<i32>} : memref<8x144xf32, #tpu.memory_space<vmem>>, vector<16xf32>,
    tpu.vector_store %arg9[%swap3A_196, %swap3A_197], %while3A_191#1 {strides = array<i32>} : memref<8x144xf32, #tpu.memory_space<vmem>>, vector<16xf32>,
    %swap3A_199 = arith.constant 0 : i32
    %swap3A_200 = arith.index_cast %swap3A_199 : i32 to index
    %swap3A_201 = arith.constant 32 : index
    %swap3A_202 = tpu.vector_load %arg9[%swap3A_200, %swap3A_201] {strides = array<i32>} : memref<8x144xf32, #tpu.memory_space<vmem>>, vector<16xf32>,
    tpu.vector_store %arg9[%swap3A_200, %swap3A_201], %while3A_191#2 {strides = array<i32>} : memref<8x144xf32, #tpu.memory_space<vmem>>, vector<16xf32>,
    %swap3A_203 = arith.constant 0 : i32
    %swap3A_204 = arith.index_cast %swap3A_203 : i32 to index
    %swap3A_205 = arith.constant 48 : index
    %swap3A_206 = tpu.vector_load %arg9[%swap3A_204, %swap3A_205] {strides = array<i32>} : memref<8x144xf32, #tpu.memory_space<vmem>>, vector<16xf32>,
    tpu.vector_store %arg9[%swap3A_204, %swap3A_205], %while3A_191#3 {strides = array<i32>} : memref<8x144xf32, #tpu.memory_space<vmem>>, vector<16xf32>,
    %swap3A_207 = arith.constant 0 : i32
    %swap3A_208 = arith.index_cast %swap3A_207 : i32 to index
    %swap3A_209 = arith.constant 64 : index
    %swap3A_210 = tpu.vector_load %arg9[%swap3A_208, %swap3A_209] {strides = array<i32>} : memref<8x144xf32, #tpu.memory_space<vmem>>, vector<16xf32>,
    tpu.vector_store %arg9[%swap3A_208, %swap3A_209], %while3A_191#4 {strides = array<i32>} : memref<8x144xf32, #tpu.memory_space<vmem>>, vector<16xf32>,
    %swap3A_211 = arith.constant 0 : i32
    %swap3A_212 = arith.index_cast %swap3A_211 : i32 to index
    %swap3A_213 = arith.constant 80 : index
    %swap3A_214 = tpu.vector_load %arg9[%swap3A_212, %swap3A_213] {strides = array<i32>} : memref<8x144xf32, #tpu.memory_space<vmem>>, vector<16xf32>,
    tpu.vector_store %arg9[%swap3A_212, %swap3A_213], %while3A_191#5 {strides = array<i32>} : memref<8x144xf32, #tpu.memory_space<vmem>>, vector<16xf32>,
    %swap3A_215 = arith.constant 0 : i32
    %swap3A_216 = arith.index_cast %swap3A_215 : i32 to index
    %swap3A_217 = arith.constant 96 : index
    %swap3A_218 = tpu.vector_load %arg9[%swap3A_216, %swap3A_217] {strides = array<i32>} : memref<8x144xf32, #tpu.memory_space<vmem>>, vector<16xf32>,
    tpu.vector_store %arg9[%swap3A_216, %swap3A_217], %while3A_191#6 {strides = array<i32>} : memref<8x144xf32, #tpu.memory_space<vmem>>, vector<16xf32>,
    %swap3A_219 = arith.constant 0 : i32
    %swap3A_220 = arith.index_cast %swap3A_219 : i32 to index
    %swap3A_221 = arith.constant 112 : index
    %swap3A_222 = tpu.vector_load %arg9[%swap3A_220, %swap3A_221] {strides = array<i32>} : memref<8x144xf32, #tpu.memory_space<vmem>>, vector<16xf32>,
    tpu.vector_store %arg9[%swap3A_220, %swap3A_221], %while3A_191#7 {strides = array<i32>} : memref<8x144xf32, #tpu.memory_space<vmem>>, vector<16xf32>,
    %broadcast_in_dim3A_223 = vector.broadcast %while3A_191#8 : f32 to vector<16xf32>
    %swap3A_224 = arith.constant 0 : i32
    %swap3A_225 = arith.index_cast %swap3A_224 : i32 to index
    %swap3A_226 = arith.constant 128 : index
    %swap3A_227 = tpu.vector_load %arg9[%swap3A_225, %swap3A_226] {strides = array<i32>} : memref<8x144xf32, #tpu.memory_space<vmem>>, vector<16xf32>,
    tpu.vector_store %arg9[%swap3A_225, %swap3A_226], %broadcast_in_dim3A_223 {strides = array<i32>} : memref<8x144xf32, #tpu.memory_space<vmem>>, vector<16xf32>,
    %dma_wait3A_228 = arith.constant 40 : i32
    %dma_wait3A_229 = arith.constant 0 : i32
    %dma_wait3A_230 = tpu.memref_slice %arg6[%dma_wait3A_228, %dma_wait3A_229] : memref<72x1086xf32, #tpu.memory_space<vmem>> -> memref<32x1086xf32, #tpu.memory_space<vmem>>
    %dma_wait3A_231 = arith.constant 0 : i32
    %dma_wait3A_232 = tpu.memref_slice %arg2[%add3A_118, %dma_wait3A_231] : memref<2048x1086xf32, #tpu.memory_space<hbm>> -> memref<32x1086xf32, #tpu.memory_space<hbm>>
    %dma_wait3A_233 = arith.constant 40 : i32
    %dma_wait3A_234 = arith.constant 0 : i32
    %dma_wait3A_235 = tpu.memref_slice %arg6[%dma_wait3A_233, %dma_wait3A_234] : memref<72x1086xf32, #tpu.memory_space<vmem>> -> memref<32x1086xf32, #tpu.memory_space<vmem>>
    %dma_wait3A_236 = arith.constant 0 : i32
    %dma_wait3A_237 = tpu.memref_slice %arg2[%add3A_118, %dma_wait3A_236] : memref<2048x1086xf32, #tpu.memory_space<hbm>> -> memref<32x1086xf32, #tpu.memory_space<hbm>>
    tpu.wait_dma2 semaphore(%arg11 : memref<!tpu.dma_semaphore, #tpu.memory_space<semaphore_mem>>) src(%dma_wait3A_237 : memref<32x1086xf32, #tpu.memory_space<hbm>>) dst(%dma_wait3A_235 : memref<32x1086xf32, #tpu.memory_space<vmem>>)
    %while3A_238 = arith.constant 0.000000e+00 : f32
    %while3A_239 = arith.subi %add3A_181, %add3A_179 : i32
    %while3A_240 = arith.addi %add3A_179, %while3A_239 : i32
    %while3A_241 = arith.constant 1 : i32
    %while3A_242 = arith.divsi %while3A_239, %while3A_241 : i32
    %while3A_243 = arith.muli %while3A_242, %while3A_241 : i32
    %while3A_244 = arith.addi %add3A_179, %while3A_243 : i32
    %while3A_245 = arith.constant 1 : i32
    %while3A_246:9 = scf.for %while3A_286 = %add3A_179 to %while3A_244 step %while3A_245 iter_args(%while3A_287 = %broadcast_in_dim3A_177, %while3A_288 = %broadcast_in_dim3A_177, %while3A_289 = %broadcast_in_dim3A_177, %while3A_290 = %broadcast_in_dim3A_177, %while3A_291 = %broadcast_in_dim3A_177, %while3A_292 = %broadcast_in_dim3A_177, %while3A_293 = %broadcast_in_dim3A_177, %while3A_294 = %broadcast_in_dim3A_177, %while3A_295 = %while3A_238) -> (vector<16xf32>, vector<16xf32>, vector<16xf32>, vector<16xf32>, vector<16xf32>, vector<16xf32>, vector<16xf32>, vector<16xf32>, f32)  : i32 {
      %broadcast_in_dim3A_296 = vector.broadcast %while3A_286 : i32 to vector<16xi32>
      %gather3A = tpu.vector_load_idx %arg6[%broadcast_in_dim3A_296, %get3A_129] : memref<72x1086xf32, #tpu.memory_space<vmem>>[vector<16xi32>, vector<16xi32>], vector<16xf32>,
      %gather3A_297 = tpu.vector_load_idx %arg6[%broadcast_in_dim3A_296, %get3A_135] : memref<72x1086xf32, #tpu.memory_space<vmem>>[vector<16xi32>, vector<16xi32>], vector<16xf32>,
      %mul3A_298 = arith.mulf %get3A_151, %gather3A : vector<16xf32>
      %mul3A_299 = arith.mulf %get3A_157, %gather3A_297 : vector<16xf32>
      %add3A_300 = arith.addf %mul3A_298, %mul3A_299 : vector<16xf32>
      %add3A_301 = arith.addf %add3A_300, %get3A_163 : vector<16xf32>
      %gather3A_302 = tpu.vector_load_idx %arg6[%broadcast_in_dim3A_296, %get3A_131] : memref<72x1086xf32, #tpu.memory_space<vmem>>[vector<16xi32>, vector<16xi32>], vector<16xf32>,
      %gather3A_303 = tpu.vector_load_idx %arg6[%broadcast_in_dim3A_296, %get3A_137] : memref<72x1086xf32, #tpu.memory_space<vmem>>[vector<16xi32>, vector<16xi32>], vector<16xf32>,
      %mul3A_304 = arith.mulf %get3A_153, %gather3A_302 : vector<16xf32>
      %mul3A_305 = arith.mulf %get3A_159, %gather3A_303 : vector<16xf32>
      %add3A_306 = arith.addf %mul3A_304, %mul3A_305 : vector<16xf32>
      %add3A_307 = arith.addf %add3A_306, %get3A_165 : vector<16xf32>
      %gather3A_308 = tpu.vector_load_idx %arg6[%broadcast_in_dim3A_296, %get3A_133] : memref<72x1086xf32, #tpu.memory_space<vmem>>[vector<16xi32>, vector<16xi32>], vector<16xf32>,
      %gather3A_309 = tpu.vector_load_idx %arg6[%broadcast_in_dim3A_296, %get3A_139] : memref<72x1086xf32, #tpu.memory_space<vmem>>[vector<16xi32>, vector<16xi32>], vector<16xf32>,
      %mul3A_310 = arith.mulf %get3A_155, %gather3A_308 : vector<16xf32>
      %mul3A_311 = arith.mulf %get3A_161, %gather3A_309 : vector<16xf32>
      %add3A_312 = arith.addf %mul3A_310, %mul3A_311 : vector<16xf32>
      %add3A_313 = arith.addf %add3A_312, %get3A_167 : vector<16xf32>
      %gather3A_314 = tpu.vector_load_idx %arg6[%broadcast_in_dim3A_296, %get3A_141] : memref<72x1086xf32, #tpu.memory_space<vmem>>[vector<16xi32>, vector<16xi32>], vector<16xf32>,
      %gather3A_315 = tpu.vector_load_idx %arg6[%broadcast_in_dim3A_296, %get3A_143] : memref<72x1086xf32, #tpu.memory_space<vmem>>[vector<16xi32>, vector<16xi32>], vector<16xf32>,
      %gather3A_316 = tpu.vector_load_idx %arg6[%broadcast_in_dim3A_296, %get3A_145] : memref<72x1086xf32, #tpu.memory_space<vmem>>[vector<16xi32>, vector<16xi32>], vector<16xf32>,
      %gather3A_317 = tpu.vector_load_idx %arg6[%broadcast_in_dim3A_296, %get3A_147] : memref<72x1086xf32, #tpu.memory_space<vmem>>[vector<16xi32>, vector<16xi32>], vector<16xf32>,
      %gather3A_318 = tpu.vector_load_idx %arg6[%broadcast_in_dim3A_296, %get3A_149] : memref<72x1086xf32, #tpu.memory_space<vmem>>[vector<16xi32>, vector<16xi32>], vector<16xf32>,
      %add3A_319 = arith.addf %add3A_301, %add3A_307 : vector<16xf32>
      %add3A_320 = arith.addf %add3A_319, %add3A_313 : vector<16xf32>
      %reduce_sum3A = arith.constant true
      %reduce_sum3A_321 = vector.broadcast %reduce_sum3A : i1 to vector<16xi1>
      %reduce_sum3A_322 = tpu.scan <sum>, %add3A_320 masked %reduce_sum3A_321 : vector<16xf32>, vector<16xi1> -> vector<16xf32>
      %reduce_sum3A_323 = vector.extract %reduce_sum3A_322[15] : f32 from vector<16xf32>
      %ne3A_324 = arith.constant 0.000000e+00 : f32
      %ne3A_325 = arith.cmpf one, %reduce_sum3A_323, %ne3A_324 : f32
      %jit3A_326 = arith.constant 1.000000e+00 : f32
      %jit3A_327 = arith.constant 0.000000e+00 : f32
      %select_n3A_328 = arith.select %ne3A_325, %jit3A_326, %jit3A_327 : f32
      %mul3A_329 = vector.broadcast %select_n3A_328 : f32 to vector<16xf32>
      %mul3A_330 = arith.mulf %mul3A_329, %add3A_301 : vector<16xf32>
      %add3A_331 = arith.addf %while3A_287, %mul3A_330 : vector<16xf32>
      %mul3A_332 = vector.broadcast %select_n3A_328 : f32 to vector<16xf32>
      %mul3A_333 = arith.mulf %mul3A_332, %add3A_307 : vector<16xf32>
      %add3A_334 = arith.addf %while3A_288, %mul3A_333 : vector<16xf32>
      %mul3A_335 = vector.broadcast %select_n3A_328 : f32 to vector<16xf32>
      %mul3A_336 = arith.mulf %mul3A_335, %add3A_313 : vector<16xf32>
      %add3A_337 = arith.addf %while3A_289, %mul3A_336 : vector<16xf32>
      %mul3A_338 = vector.broadcast %select_n3A_328 : f32 to vector<16xf32>
      %mul3A_339 = arith.mulf %mul3A_338, %gather3A_314 : vector<16xf32>
      %add3A_340 = arith.addf %while3A_290, %mul3A_339 : vector<16xf32>
      %mul3A_341 = vector.broadcast %select_n3A_328 : f32 to vector<16xf32>
      %mul3A_342 = arith.mulf %mul3A_341, %gather3A_315 : vector<16xf32>
      %add3A_343 = arith.addf %while3A_291, %mul3A_342 : vector<16xf32>
      %mul3A_344 = vector.broadcast %select_n3A_328 : f32 to vector<16xf32>
      %mul3A_345 = arith.mulf %mul3A_344, %gather3A_316 : vector<16xf32>
      %add3A_346 = arith.addf %while3A_292, %mul3A_345 : vector<16xf32>
      %mul3A_347 = vector.broadcast %select_n3A_328 : f32 to vector<16xf32>
      %mul3A_348 = arith.mulf %mul3A_347, %gather3A_317 : vector<16xf32>
      %add3A_349 = arith.addf %while3A_293, %mul3A_348 : vector<16xf32>
      %mul3A_350 = vector.broadcast %select_n3A_328 : f32 to vector<16xf32>
      %mul3A_351 = arith.mulf %mul3A_350, %gather3A_318 : vector<16xf32>
      %add3A_352 = arith.addf %while3A_294, %mul3A_351 : vector<16xf32>
      %add3A_353 = arith.addf %while3A_295, %select_n3A_328 : f32
      scf.yield %add3A_331, %add3A_334, %add3A_337, %add3A_340, %add3A_343, %add3A_346, %add3A_349, %add3A_352, %add3A_353 : vector<16xf32>, vector<16xf32>, vector<16xf32>, vector<16xf32>, vector<16xf32>, vector<16xf32>, vector<16xf32>, vector<16xf32>, f32
    }
    %while3A_247 = arith.constant 1 : i32
    %while3A_248:9 = scf.for %while3A_286 = %while3A_244 to %while3A_240 step %while3A_247 iter_args(%while3A_287 = %while3A_246#0, %while3A_288 = %while3A_246#1, %while3A_289 = %while3A_246#2, %while3A_290 = %while3A_246#3, %while3A_291 = %while3A_246#4, %while3A_292 = %while3A_246#5, %while3A_293 = %while3A_246#6, %while3A_294 = %while3A_246#7, %while3A_295 = %while3A_246#8) -> (vector<16xf32>, vector<16xf32>, vector<16xf32>, vector<16xf32>, vector<16xf32>, vector<16xf32>, vector<16xf32>, vector<16xf32>, f32)  : i32 {
      %broadcast_in_dim3A_296 = vector.broadcast %while3A_286 : i32 to vector<16xi32>
      %gather3A = tpu.vector_load_idx %arg6[%broadcast_in_dim3A_296, %get3A_129] : memref<72x1086xf32, #tpu.memory_space<vmem>>[vector<16xi32>, vector<16xi32>], vector<16xf32>,
      %gather3A_297 = tpu.vector_load_idx %arg6[%broadcast_in_dim3A_296, %get3A_135] : memref<72x1086xf32, #tpu.memory_space<vmem>>[vector<16xi32>, vector<16xi32>], vector<16xf32>,
      %mul3A_298 = arith.mulf %get3A_151, %gather3A : vector<16xf32>
      %mul3A_299 = arith.mulf %get3A_157, %gather3A_297 : vector<16xf32>
      %add3A_300 = arith.addf %mul3A_298, %mul3A_299 : vector<16xf32>
      %add3A_301 = arith.addf %add3A_300, %get3A_163 : vector<16xf32>
      %gather3A_302 = tpu.vector_load_idx %arg6[%broadcast_in_dim3A_296, %get3A_131] : memref<72x1086xf32, #tpu.memory_space<vmem>>[vector<16xi32>, vector<16xi32>], vector<16xf32>,
      %gather3A_303 = tpu.vector_load_idx %arg6[%broadcast_in_dim3A_296, %get3A_137] : memref<72x1086xf32, #tpu.memory_space<vmem>>[vector<16xi32>, vector<16xi32>], vector<16xf32>,
      %mul3A_304 = arith.mulf %get3A_153, %gather3A_302 : vector<16xf32>
      %mul3A_305 = arith.mulf %get3A_159, %gather3A_303 : vector<16xf32>
      %add3A_306 = arith.addf %mul3A_304, %mul3A_305 : vector<16xf32>
      %add3A_307 = arith.addf %add3A_306, %get3A_165 : vector<16xf32>
      %gather3A_308 = tpu.vector_load_idx %arg6[%broadcast_in_dim3A_296, %get3A_133] : memref<72x1086xf32, #tpu.memory_space<vmem>>[vector<16xi32>, vector<16xi32>], vector<16xf32>,
      %gather3A_309 = tpu.vector_load_idx %arg6[%broadcast_in_dim3A_296, %get3A_139] : memref<72x1086xf32, #tpu.memory_space<vmem>>[vector<16xi32>, vector<16xi32>], vector<16xf32>,
      %mul3A_310 = arith.mulf %get3A_155, %gather3A_308 : vector<16xf32>
      %mul3A_311 = arith.mulf %get3A_161, %gather3A_309 : vector<16xf32>
      %add3A_312 = arith.addf %mul3A_310, %mul3A_311 : vector<16xf32>
      %add3A_313 = arith.addf %add3A_312, %get3A_167 : vector<16xf32>
      %gather3A_314 = tpu.vector_load_idx %arg6[%broadcast_in_dim3A_296, %get3A_141] : memref<72x1086xf32, #tpu.memory_space<vmem>>[vector<16xi32>, vector<16xi32>], vector<16xf32>,
      %gather3A_315 = tpu.vector_load_idx %arg6[%broadcast_in_dim3A_296, %get3A_143] : memref<72x1086xf32, #tpu.memory_space<vmem>>[vector<16xi32>, vector<16xi32>], vector<16xf32>,
      %gather3A_316 = tpu.vector_load_idx %arg6[%broadcast_in_dim3A_296, %get3A_145] : memref<72x1086xf32, #tpu.memory_space<vmem>>[vector<16xi32>, vector<16xi32>], vector<16xf32>,
      %gather3A_317 = tpu.vector_load_idx %arg6[%broadcast_in_dim3A_296, %get3A_147] : memref<72x1086xf32, #tpu.memory_space<vmem>>[vector<16xi32>, vector<16xi32>], vector<16xf32>,
      %gather3A_318 = tpu.vector_load_idx %arg6[%broadcast_in_dim3A_296, %get3A_149] : memref<72x1086xf32, #tpu.memory_space<vmem>>[vector<16xi32>, vector<16xi32>], vector<16xf32>,
      %add3A_319 = arith.addf %add3A_301, %add3A_307 : vector<16xf32>
      %add3A_320 = arith.addf %add3A_319, %add3A_313 : vector<16xf32>
      %reduce_sum3A = arith.constant true
      %reduce_sum3A_321 = vector.broadcast %reduce_sum3A : i1 to vector<16xi1>
      %reduce_sum3A_322 = tpu.scan <sum>, %add3A_320 masked %reduce_sum3A_321 : vector<16xf32>, vector<16xi1> -> vector<16xf32>
      %reduce_sum3A_323 = vector.extract %reduce_sum3A_322[15] : f32 from vector<16xf32>
      %ne3A_324 = arith.constant 0.000000e+00 : f32
      %ne3A_325 = arith.cmpf one, %reduce_sum3A_323, %ne3A_324 : f32
      %jit3A_326 = arith.constant 1.000000e+00 : f32
      %jit3A_327 = arith.constant 0.000000e+00 : f32
      %select_n3A_328 = arith.select %ne3A_325, %jit3A_326, %jit3A_327 : f32
      %mul3A_329 = vector.broadcast %select_n3A_328 : f32 to vector<16xf32>
      %mul3A_330 = arith.mulf %mul3A_329, %add3A_301 : vector<16xf32>
      %add3A_331 = arith.addf %while3A_287, %mul3A_330 : vector<16xf32>
      %mul3A_332 = vector.broadcast %select_n3A_328 : f32 to vector<16xf32>
      %mul3A_333 = arith.mulf %mul3A_332, %add3A_307 : vector<16xf32>
      %add3A_334 = arith.addf %while3A_288, %mul3A_333 : vector<16xf32>
      %mul3A_335 = vector.broadcast %select_n3A_328 : f32 to vector<16xf32>
      %mul3A_336 = arith.mulf %mul3A_335, %add3A_313 : vector<16xf32>
      %add3A_337 = arith.addf %while3A_289, %mul3A_336 : vector<16xf32>
      %mul3A_338 = vector.broadcast %select_n3A_328 : f32 to vector<16xf32>
      %mul3A_339 = arith.mulf %mul3A_338, %gather3A_314 : vector<16xf32>
      %add3A_340 = arith.addf %while3A_290, %mul3A_339 : vector<16xf32>
      %mul3A_341 = vector.broadcast %select_n3A_328 : f32 to vector<16xf32>
      %mul3A_342 = arith.mulf %mul3A_341, %gather3A_315 : vector<16xf32>
      %add3A_343 = arith.addf %while3A_291, %mul3A_342 : vector<16xf32>
      %mul3A_344 = vector.broadcast %select_n3A_328 : f32 to vector<16xf32>
      %mul3A_345 = arith.mulf %mul3A_344, %gather3A_316 : vector<16xf32>
      %add3A_346 = arith.addf %while3A_292, %mul3A_345 : vector<16xf32>
      %mul3A_347 = vector.broadcast %select_n3A_328 : f32 to vector<16xf32>
      %mul3A_348 = arith.mulf %mul3A_347, %gather3A_317 : vector<16xf32>
      %add3A_349 = arith.addf %while3A_293, %mul3A_348 : vector<16xf32>
      %mul3A_350 = vector.broadcast %select_n3A_328 : f32 to vector<16xf32>
      %mul3A_351 = arith.mulf %mul3A_350, %gather3A_318 : vector<16xf32>
      %add3A_352 = arith.addf %while3A_294, %mul3A_351 : vector<16xf32>
      %add3A_353 = arith.addf %while3A_295, %select_n3A_328 : f32
      scf.yield %add3A_331, %add3A_334, %add3A_337, %add3A_340, %add3A_343, %add3A_346, %add3A_349, %add3A_352, %add3A_353 : vector<16xf32>, vector<16xf32>, vector<16xf32>, vector<16xf32>, vector<16xf32>, vector<16xf32>, vector<16xf32>, vector<16xf32>, f32
    }
    %swap3A_249 = arith.constant 1 : i32
    %swap3A_250 = arith.index_cast %swap3A_249 : i32 to index
    %swap3A_251 = arith.constant 0 : index
    %swap3A_252 = tpu.vector_load %arg9[%swap3A_250, %swap3A_251] {strides = array<i32>} : memref<8x144xf32, #tpu.memory_space<vmem>>, vector<16xf32>,
    tpu.vector_store %arg9[%swap3A_250, %swap3A_251], %while3A_248#0 {strides = array<i32>} : memref<8x144xf32, #tpu.memory_space<vmem>>, vector<16xf32>,
    %swap3A_253 = arith.constant 1 : i32
    %swap3A_254 = arith.index_cast %swap3A_253 : i32 to index
    %swap3A_255 = arith.constant 16 : index
    %swap3A_256 = tpu.vector_load %arg9[%swap3A_254, %swap3A_255] {strides = array<i32>} : memref<8x144xf32, #tpu.memory_space<vmem>>, vector<16xf32>,
    tpu.vector_store %arg9[%swap3A_254, %swap3A_255], %while3A_248#1 {strides = array<i32>} : memref<8x144xf32, #tpu.memory_space<vmem>>, vector<16xf32>,
    %swap3A_257 = arith.constant 1 : i32
    %swap3A_258 = arith.index_cast %swap3A_257 : i32 to index
    %swap3A_259 = arith.constant 32 : index
    %swap3A_260 = tpu.vector_load %arg9[%swap3A_258, %swap3A_259] {strides = array<i32>} : memref<8x144xf32, #tpu.memory_space<vmem>>, vector<16xf32>,
    tpu.vector_store %arg9[%swap3A_258, %swap3A_259], %while3A_248#2 {strides = array<i32>} : memref<8x144xf32, #tpu.memory_space<vmem>>, vector<16xf32>,
    %swap3A_261 = arith.constant 1 : i32
    %swap3A_262 = arith.index_cast %swap3A_261 : i32 to index
    %swap3A_263 = arith.constant 48 : index
    %swap3A_264 = tpu.vector_load %arg9[%swap3A_262, %swap3A_263] {strides = array<i32>} : memref<8x144xf32, #tpu.memory_space<vmem>>, vector<16xf32>,
    tpu.vector_store %arg9[%swap3A_262, %swap3A_263], %while3A_248#3 {strides = array<i32>} : memref<8x144xf32, #tpu.memory_space<vmem>>, vector<16xf32>,
    %swap3A_265 = arith.constant 1 : i32
    %swap3A_266 = arith.index_cast %swap3A_265 : i32 to index
    %swap3A_267 = arith.constant 64 : index
    %swap3A_268 = tpu.vector_load %arg9[%swap3A_266, %swap3A_267] {strides = array<i32>} : memref<8x144xf32, #tpu.memory_space<vmem>>, vector<16xf32>,
    tpu.vector_store %arg9[%swap3A_266, %swap3A_267], %while3A_248#4 {strides = array<i32>} : memref<8x144xf32, #tpu.memory_space<vmem>>, vector<16xf32>,
    %swap3A_269 = arith.constant 1 : i32
    %swap3A_270 = arith.index_cast %swap3A_269 : i32 to index
    %swap3A_271 = arith.constant 80 : index
    %swap3A_272 = tpu.vector_load %arg9[%swap3A_270, %swap3A_271] {strides = array<i32>} : memref<8x144xf32, #tpu.memory_space<vmem>>, vector<16xf32>,
    tpu.vector_store %arg9[%swap3A_270, %swap3A_271], %while3A_248#5 {strides = array<i32>} : memref<8x144xf32, #tpu.memory_space<vmem>>, vector<16xf32>,
    %swap3A_273 = arith.constant 1 : i32
    %swap3A_274 = arith.index_cast %swap3A_273 : i32 to index
    %swap3A_275 = arith.constant 96 : index
    %swap3A_276 = tpu.vector_load %arg9[%swap3A_274, %swap3A_275] {strides = array<i32>} : memref<8x144xf32, #tpu.memory_space<vmem>>, vector<16xf32>,
    tpu.vector_store %arg9[%swap3A_274, %swap3A_275], %while3A_248#6 {strides = array<i32>} : memref<8x144xf32, #tpu.memory_space<vmem>>, vector<16xf32>,
    %swap3A_277 = arith.constant 1 : i32
    %swap3A_278 = arith.index_cast %swap3A_277 : i32 to index
    %swap3A_279 = arith.constant 112 : index
    %swap3A_280 = tpu.vector_load %arg9[%swap3A_278, %swap3A_279] {strides = array<i32>} : memref<8x144xf32, #tpu.memory_space<vmem>>, vector<16xf32>,
    tpu.vector_store %arg9[%swap3A_278, %swap3A_279], %while3A_248#7 {strides = array<i32>} : memref<8x144xf32, #tpu.memory_space<vmem>>, vector<16xf32>,
    %broadcast_in_dim3A_281 = vector.broadcast %while3A_248#8 : f32 to vector<16xf32>
    %swap3A_282 = arith.constant 1 : i32
    %swap3A_283 = arith.index_cast %swap3A_282 : i32 to index
    %swap3A_284 = arith.constant 128 : index
    %swap3A_285 = tpu.vector_load %arg9[%swap3A_283, %swap3A_284] {strides = array<i32>} : memref<8x144xf32, #tpu.memory_space<vmem>>, vector<16xf32>,
    tpu.vector_store %arg9[%swap3A_283, %swap3A_284], %broadcast_in_dim3A_281 {strides = array<i32>} : memref<8x144xf32, #tpu.memory_space<vmem>>, vector<16xf32>,
    "tpu.region"() ({
      %run_scoped3A = tpu.sem_alloc : memref<!tpu.dma_semaphore, #tpu.memory_space<semaphore_mem>>
      %dma_start3A_286 = arith.constant 0 : i32
      %dma_start3A_287 = arith.constant 0 : i32
      %dma_start3A_288 = tpu.memref_slice %arg5[%add3A, %dma_start3A_286, %dma_start3A_287] : memref<32x8x144xf32, #tpu.memory_space<hbm>> -> memref<1x8x144xf32, #tpu.memory_space<hbm>>
      %dma_start3A_289 = tpu.memref_squeeze %dma_start3A_288 : memref<1x8x144xf32, #tpu.memory_space<hbm>> -> memref<8x144xf32, #tpu.memory_space<hbm>>
      %dma_start3A_290 = arith.constant 0 : i32
      %dma_start3A_291 = arith.constant 0 : i32
      %dma_start3A_292 = tpu.memref_slice %arg5[%add3A, %dma_start3A_290, %dma_start3A_291] : memref<32x8x144xf32, #tpu.memory_space<hbm>> -> memref<1x8x144xf32, #tpu.memory_space<hbm>>
      %dma_start3A_293 = tpu.memref_squeeze %dma_start3A_292 : memref<1x8x144xf32, #tpu.memory_space<hbm>> -> memref<8x144xf32, #tpu.memory_space<hbm>>
      tpu.enqueue_dma source(%arg9 : memref<8x144xf32, #tpu.memory_space<vmem>>) target(%dma_start3A_293 : memref<8x144xf32, #tpu.memory_space<hbm>>) target_semaphore(%run_scoped3A : memref<!tpu.dma_semaphore, #tpu.memory_space<semaphore_mem>>)
      %dma_wait3A_294 = arith.constant 0 : i32
      %dma_wait3A_295 = arith.constant 0 : i32
      %dma_wait3A_296 = tpu.memref_slice %arg5[%add3A, %dma_wait3A_294, %dma_wait3A_295] : memref<32x8x144xf32, #tpu.memory_space<hbm>> -> memref<1x8x144xf32, #tpu.memory_space<hbm>>
      %dma_wait3A_297 = tpu.memref_squeeze %dma_wait3A_296 : memref<1x8x144xf32, #tpu.memory_space<hbm>> -> memref<8x144xf32, #tpu.memory_space<hbm>>
      %dma_wait3A_298 = arith.constant 0 : i32
      %dma_wait3A_299 = arith.constant 0 : i32
      %dma_wait3A_300 = tpu.memref_slice %arg5[%add3A, %dma_wait3A_298, %dma_wait3A_299] : memref<32x8x144xf32, #tpu.memory_space<hbm>> -> memref<1x8x144xf32, #tpu.memory_space<hbm>>
      %dma_wait3A_301 = tpu.memref_squeeze %dma_wait3A_300 : memref<1x8x144xf32, #tpu.memory_space<hbm>> -> memref<8x144xf32, #tpu.memory_space<hbm>>
      tpu.wait_dma2 semaphore(%run_scoped3A : memref<!tpu.dma_semaphore, #tpu.memory_space<semaphore_mem>>) src(%arg9 : memref<8x144xf32, #tpu.memory_space<vmem>>) dst(%dma_wait3A_301 : memref<8x144xf32, #tpu.memory_space<hbm>>)
      tpu.yield
    }) : () -> ()
    return
  }
}

module attributes {stable_mosaic.version = 14 : i64} {
  func.func @_finalize_body(%arg0: memref<32x8x144xf32, #tpu.memory_space<vmem>>, %arg1: memref<64x1xf32, #tpu.memory_space<vmem>>, %arg2: memref<64x122xf32, #tpu.memory_space<vmem>>) attributes {dimension_semantics = [], scalar_prefetch = 0 : i64, scratch_operands = 0 : i64, tpu.core_type = #tpu.core_type<tc>} {
    %get3A = arith.constant 0 : index
    %get3A_0 = arith.constant 0 : index
    %get3A_1 = arith.constant 0 : index
    %get3A_2 = vector.load %arg0[%get3A, %get3A_0, %get3A_1] : memref<32x8x144xf32, #tpu.memory_space<vmem>>, vector<32x8x144xf32>
    %slice3A = vector.extract_strided_slice %get3A_2 {offsets = [0, 0, 0], sizes = [32, 2, 144], strides = [1, 1, 1]} : vector<32x8x144xf32> to vector<32x2x144xf32>
    %reshape3A = vector.shape_cast %slice3A : vector<32x2x144xf32> to vector<64x144xf32>
    %get3A_3 = arith.constant 0 : index
    %get3A_4 = arith.constant 0 : index
    %get3A_5 = vector.load %arg1[%get3A_3, %get3A_4] : memref<64x1xf32, #tpu.memory_space<vmem>>, vector<64x1xf32>
    %slice3A_6 = vector.extract_strided_slice %reshape3A {offsets = [0, 128], sizes = [64, 1], strides = [1, 1]} : vector<64x144xf32> to vector<64x1xf32>
    %slice3A_7 = vector.extract_strided_slice %reshape3A {offsets = [0, 0], sizes = [64, 42], strides = [1, 1]} : vector<64x144xf32> to vector<64x42xf32>
    %slice3A_8 = vector.extract_strided_slice %reshape3A {offsets = [0, 48], sizes = [64, 80], strides = [1, 1]} : vector<64x144xf32> to vector<64x80xf32>
    %reduce_sum3A = vector.shape_cast %slice3A_6 : vector<64x1xf32> to vector<1x64x1xf32>
    %reduce_sum3A_9 = arith.constant dense<0.000000e+00> : vector<1xf32>
    %reduce_sum3A_10 = vector.multi_reduction <add>, %reduce_sum3A, %reduce_sum3A_9 [1, 2] : vector<1x64x1xf32> to vector<1xf32>
    %reduce_sum3A_11 = vector.shape_cast %reduce_sum3A_10 : vector<1xf32> to vector<1x1x1xf32>
    %reduce_sum3A_12 = vector.extract %reduce_sum3A_11[0, 0, 0] : f32 from vector<1x1x1xf32>
    %reduce_sum3A_13 = arith.constant dense<0.000000e+00> : vector<80xf32>
    %reduce_sum3A_14 = vector.multi_reduction <add>, %slice3A_8, %reduce_sum3A_13 [0] : vector<64x80xf32> to vector<80xf32>
    %broadcast_in_dim3A = vector.shape_cast %reduce_sum3A_14 : vector<80xf32> to vector<1x80xf32>
    %gt3A = arith.constant 0.000000e+00 : f32
    %gt3A_15 = arith.cmpf ogt, %reduce_sum3A_12, %gt3A : f32
    %max3A = arith.constant 1.000000e+00 : f32
    %max3A_16 = arith.maximumf %reduce_sum3A_12, %max3A : f32
    %div3A = vector.broadcast %max3A_16 : f32 to vector<1x80xf32>
    %div3A_17 = arith.divf %broadcast_in_dim3A, %div3A : vector<1x80xf32>
    %jit3A = arith.constant 0.000000e+00 : f32
    %broadcast_in_dim3A_18 = vector.broadcast %jit3A : f32 to vector<1x80xf32>
    %select_n3A = arith.select %gt3A_15, %div3A_17, %broadcast_in_dim3A_18 : vector<1x80xf32>
    %gt3A_19 = arith.constant 0.000000e+00 : f32
    %gt3A_20 = vector.broadcast %gt3A_19 : f32 to vector<64x1xf32>
    %gt3A_21 = arith.cmpf ogt, %slice3A_6, %gt3A_20 : vector<64x1xf32>
    %max3A_22 = arith.constant 1.000000e+00 : f32
    %max3A_23 = vector.broadcast %max3A_22 : f32 to vector<64x1xf32>
    %max3A_24 = arith.maximumf %slice3A_6, %max3A_23 : vector<64x1xf32>
    %div3A_25 = vector.broadcast %max3A_24 : vector<64x1xf32> to vector<64x42xf32>
    %div3A_26 = arith.divf %slice3A_7, %div3A_25 : vector<64x42xf32>
    %jit3A_27 = arith.constant 0.000000e+00 : f32
    %broadcast_in_dim3A_28 = vector.shape_cast %gt3A_21 : vector<64x1xi1> to vector<64x1xi1>
    %broadcast_in_dim3A_29 = vector.broadcast %broadcast_in_dim3A_28 : vector<64x1xi1> to vector<64x42xi1>
    %broadcast_in_dim3A_30 = vector.broadcast %jit3A_27 : f32 to vector<64x42xf32>
    %select_n3A_31 = arith.select %broadcast_in_dim3A_29, %div3A_26, %broadcast_in_dim3A_30 : vector<64x42xi1>, vector<64x42xf32>
    %sub3A = arith.subf %get3A_5, %slice3A_6 : vector<64x1xf32>
    %mul3A = vector.broadcast %sub3A : vector<64x1xf32> to vector<64x80xf32>
    %mul3A_32 = vector.broadcast %select_n3A : vector<1x80xf32> to vector<64x80xf32>
    %mul3A_33 = arith.mulf %mul3A, %mul3A_32 : vector<64x80xf32>
    %add3A = arith.addf %slice3A_8, %mul3A_33 : vector<64x80xf32>
    %div3A_34 = vector.broadcast %get3A_5 : vector<64x1xf32> to vector<64x80xf32>
    %div3A_35 = arith.divf %add3A, %div3A_34 : vector<64x80xf32>
    %concatenate3A = tpu.concatenate %select_n3A_31, %div3A_35 in 1 : vector<64x42xf32>, vector<64x80xf32> -> vector<64x122xf32>
    %reduce_sum3A_36 = arith.constant dense<0.000000e+00> : vector<64xf32>
    %reduce_sum3A_37 = vector.multi_reduction <add>, %concatenate3A, %reduce_sum3A_36 [1] : vector<64x122xf32> to vector<64xf32>
    %broadcast_in_dim3A_38 = vector.shape_cast %reduce_sum3A_37 : vector<64xf32> to vector<64x1xf32>
    %ne3A = arith.constant 0.000000e+00 : f32
    %ne3A_39 = vector.broadcast %ne3A : f32 to vector<64x1xf32>
    %ne3A_40 = arith.cmpf one, %broadcast_in_dim3A_38, %ne3A_39 : vector<64x1xf32>
    %convert_element_type3A = arith.extui %ne3A_40 : vector<64x1xi1> to vector<64x1xi32>
    %convert_element_type3A_41 = arith.sitofp %convert_element_type3A : vector<64x1xi32> to vector<64x1xf32>
    %mul3A_42 = vector.broadcast %convert_element_type3A_41 : vector<64x1xf32> to vector<64x122xf32>
    %mul3A_43 = arith.mulf %concatenate3A, %mul3A_42 : vector<64x122xf32>
    %swap3A = arith.constant 0 : index
    %swap3A_44 = arith.constant 0 : index
    %swap3A_45 = vector.load %arg2[%swap3A, %swap3A_44] : memref<64x122xf32, #tpu.memory_space<vmem>>, vector<64x122xf32>
    tpu.vector_store %arg2[%swap3A, %swap3A_44], %mul3A_43 {strides = array<i32>} : memref<64x122xf32, #tpu.memory_space<vmem>>, vector<64x122xf32>,
    return
  }
}

</mosaic_0001>

<sc_bundles>
// kernel: kernel.4.cloned.1.call-start
scs
__scs_entry_jumppad:
0x0: {  	(pc) =	sbr.rel $0x88, $3  }
0x1: {  	(tag) =	ssettag $0x0;
	lr =	simm.s32 $0x1  }
0x2: {  	[smem:$0x3FA0] =	sst lr;
	_ =	strace $0xD0000000  }
0x3: {  	_ = 	snop  }
0x4: {  	_ = 	snop  }
0x5: {  	_ = 	snop  }
0x6: {  	_ = 	snop  }
0x7: {  	_ = 	snop  }
__scs_overlays_trampoline_lowered:
0x8: {  	[smem:$0x3FAF] =	sst s0  }
0x9: {  	[smem:$0x3FB0] =	sst s1  }
0xa: {  	[smem:$0x3FB1] =	sst s2  }
0xb: {  	[smem:$0x3FB2] =	sst s3  }
0xc: {  	[smem:$0x3FB3] =	sst s4  }
0xd: {  	[smem:$0x3FB4] =	sst s5  }
0xe: {  	[smem:$0x3FB5] =	sst s6  }
0xf: {  	[smem:$0x3FB6] =	sst s7  }
0x10: {  	[smem:$0x3FB7] =	sst s8  }
0x11: {  	[smem:$0x3FB8] =	sst s9;
	s0 =	simm.s32 @!p0 $0x0  }
0x12: {  	s1 =	sld [smem:$0x3F9E];
	s0 =	simm.s32 @p0 $0x1  }
0x13: {  	[smem:$0x3FB9] =	sst s0;
	s0 =	simm.s32 @!p1 $0x0  }
0x14: {  	s2 =	sld [smem:$0x3F9D];
	s0 =	simm.s32 @p1 $0x1  }
0x15: {  	[smem:$0x3FBA] =	sst s0;
	s0 =	simm.s32 @!p2 $0x0  }
0x16: {  	s3 =	sld [smem:$0x3FDB];
	s0 =	simm.s32 @p2 $0x1  }
0x17: {  	s4 =	simm.s32 $0x1BF5;
	[smem:$0x3FBC] =	sst s0  }
0x18: {  	s0 =	sld [smem:$0x3F9F];
	_ =	swait.ge [sflag:s4], $0x0  }
0x19: {  	s7 =	sld [smem:$0x3FA0]  }
0x1a: {  	s8 =	sadd.s32 $0xFFFFE003, lr  }
0x1b: {  	s9 =	sadd.s32 $0xFFFFFEF7, lr;
	s5 =	simm.s32 $0xFFFFFFFF;
	p2 =	slt.u32 s8, $0xFFFFF086  }
0x1c: {  	p1 =	slt.u32 s9, $0xF7A;
	s5 =	simm.s32 @!p2 $0x0  }
0x1d: {  	s5 =	simm.s32 @p1 $0x1;
	p0 =	seq.s32 s7, s2  }
0x1e: {  	s7 =	smul.u32 @!p0 $0xF7A, s2;
	p2 =	seq.s32 @!p0 s5, $0x0  }
0x1f: {  	s9 =	smul.u32 $0xF7A, s1;
	s8 =	simm.s32 @!p0 $0x1BF5;
	p2 =	por !p2, p0  }
0x20: {  	[sflag:s8] =	ssyncset.s32 @!p0 $0xFFFFF086;
	s6 =	sadd.s32 @!p0 s3, s7;
	s7 =	simm.s32 @!p0 $0x108  }
0x21: {  	s3 =	sadd.s32 s3, s9;
	s6 =	sadd.s32 @!p0 $0x88, s6;
	s7 =	simm.s32 @p2 $0x1082  }
0x22: {  	[simem:s7], [sflag:s8] =	dma.local @!p0 [hbm:s6], $0xF7A  }
0x23: {  	s9 =	sor.u32 $0xD0000000, s2;
	s6 =	simm.s32 $0x108;
	_ =	swait.ge @!p0 [sflag:s8], $0x0  }
0x24: {  	s3 =	sadd.s32 $0x88, s3;
	s6 =	simm.s32 @!p1 $0x1082;
	[sflag:s4] =	ssyncset.s32 $0xFFFFF086  }
0x25: {  	[simem:s6], [sflag:s4] =	dma.local [hbm:s3], $0xF7A  }
0x26: {  	[smem:$0x3FA0] =	sst s1;
	(tag) =	ssettag s2;
	_ =	strace s9  }
0x27: {  	s1 =	sld [smem:$0x3FB0]  }
0x28: {  	s2 =	sld [smem:$0x3FB1]  }
0x29: {  	s4 =	sld [smem:$0x3FB3]  }
0x2a: {  	p0 =	seq.s32 s5, $0x0;
	s5 =	sld [smem:$0x3FB4]  }
0x2b: {  	s6 =	sld [smem:$0x3FB5]  }
0x2c: {  	s7 =	sld [smem:$0x3FB6]  }
0x2d: {  	s3 =	simm.s32 $0x108;
	s8 =	sld [smem:$0x3FB7]  }
0x2e: {  	s3 =	simm.s32 @!p0 $0x1082;
	s9 =	sld [smem:$0x3FB8]  }
0x2f: {  	lr =	sadd.s32 s0, s3;
	s0 =	sld [smem:$0x3FAF]  }
0x30: {  	s3 =	sld [smem:$0x3FB2]  }
0x31: {  	[smem:$0x3FBB] =	sst s10  }
0x32: {  	s10 =	sld [smem:$0x3FB9];
	_ =	sdelay $0x3  }
0x33: {  	p0 =	seq.s32 s10, $0x1;
	s10 =	sld [smem:$0x3FBB];
	_ =	sdelay $0x3  }
0x34: {  	[smem:$0x3FBB] =	sst s10  }
0x35: {  	s10 =	sld [smem:$0x3FBA];
	_ =	sdelay $0x3  }
0x36: {  	p1 =	seq.s32 s10, $0x1;
	s10 =	sld [smem:$0x3FBB];
	_ =	sdelay $0x3  }
0x37: {  	[smem:$0x3FBB] =	sst s10  }
0x38: {  	s10 =	sld [smem:$0x3FBC]  }
0x39: {  	_ = 	snop;
	(pc) =	sbr.ind lr, $3  }
0x3a: {  	_ = 	snop  }
0x3b: {  	_ = 	snop  }
0x3c: {  	p2 =	seq.s32 s10, $0x1;
	s10 =	sld [smem:$0x3FBB]  }
0x3d: {  	_ =	shalt  }
0x3e: {  	_ =	shalt  }
0x3f: {  	_ =	shalt  }
0x40: {  	_ =	shalt  }
0x41: {  	_ =	shalt  }
0x42: {  	_ =	shalt  }
0x43: {  	_ =	shalt  }
0x44: {  	_ =	shalt  }
0x45: {  	_ =	shalt  }
0x46: {  	_ =	shalt  }
0x47: {  	_ =	shalt  }
0x48: {  	_ =	shalt  }
0x49: {  	_ =	shalt  }
0x4a: {  	_ =	shalt  }
0x4b: {  	_ =	shalt  }
0x4c: {  	_ =	shalt  }
0x4d: {  	_ =	shalt  }
0x4e: {  	_ =	shalt  }
0x4f: {  	_ =	shalt  }
0x50: {  	_ =	shalt  }
0x51: {  	_ =	shalt  }
0x52: {  	_ =	shalt  }
0x53: {  	_ =	shalt  }
0x54: {  	_ =	shalt  }
0x55: {  	_ =	shalt  }
0x56: {  	_ =	shalt  }
0x57: {  	_ =	shalt  }
0x58: {  	_ =	shalt  }
0x59: {  	_ =	shalt  }
0x5a: {  	_ =	shalt  }
0x5b: {  	_ =	shalt  }
0x5c: {  	_ =	shalt  }
0x5d: {  	_ =	shalt  }
0x5e: {  	_ =	shalt  }
0x5f: {  	_ =	shalt  }
0x60: {  	_ =	shalt  }
0x61: {  	_ =	shalt  }
0x62: {  	_ =	shalt  }
0x63: {  	_ =	shalt  }
0x64: {  	_ =	shalt  }
0x65: {  	_ =	shalt  }
0x66: {  	_ =	shalt  }
0x67: {  	_ =	shalt  }
0x68: {  	_ =	shalt  }
0x69: {  	_ =	shalt  }
0x6a: {  	_ =	shalt  }
0x6b: {  	_ =	shalt  }
0x6c: {  	_ =	shalt  }
0x6d: {  	_ =	shalt  }
0x6e: {  	_ =	shalt  }
0x6f: {  	_ =	shalt  }
0x70: {  	_ =	shalt  }
0x71: {  	_ =	shalt  }
0x72: {  	_ =	shalt  }
0x73: {  	_ =	shalt  }
0x74: {  	_ =	shalt  }
0x75: {  	_ =	shalt  }
0x76: {  	_ =	shalt  }
0x77: {  	_ =	shalt  }
0x78: {  	_ =	shalt  }
0x79: {  	_ =	shalt  }
0x7a: {  	_ =	shalt  }
0x7b: {  	_ =	shalt  }
0x7c: {  	_ =	shalt  }
0x7d: {  	_ =	shalt  }
0x7e: {  	_ =	shalt  }
0x7f: {  	_ =	shalt  }
0x80: {  	_ =	shalt  }
0x81: {  	_ =	shalt  }
0x82: {  	_ =	shalt  }
0x83: {  	_ =	shalt  }
0x84: {  	_ =	shalt  }
0x85: {  	_ =	shalt  }
0x86: {  	_ =	shalt  }
0x87: {  	_ =	shalt  }
.Lfunc_end0:
.L_simem_size_0:
called_computation_lowered:
.L_overlay_start_0:
0x88: {  	s2 =	sld [smem:$0x3FD9]  }
0x89: {  	s3 =	sld [smem:$0x3FFE];
	_ =	sdelay $0x1  }
0x8a: {  	s1 =	srdreg.scid  }
0x8b: {  	s0 =	sand.u32 $0x1, s1  }
0x8c: {  	s17 =	sshll.u32 s0, $0xA;
	s2 =	sadd.s32 s3, s2  }
0x8d: {  	s2 =	sadd.s32 s2, s17  }
0x8e: {  	[smem:$0x3FC7] =	sst s2  }
0x8f: {  	_ = 	snop  }
0x90: {  	s2 =	sld [smem:$0x3FD0];
	(tm) =	ssettm $0x1  }
0x91: {  	s18 =	sld [smem:$0x3FFB];
	_ =	sdelay $0x3  }
0x92: {  	_ =	strace s18  }
0x93: {  	s3 =	sld [smem:$0x3FFC];
	_ =	sdelay $0x3  }
0x94: {  	_ =	strace s3  }
0x95: {  	s3 =	sld [smem:$0x3FFD];
	_ =	sdelay $0x3  }
0x96: {  	_ =	strace s3  }
0x97: {  	_ =	strace $0x8FFFFFFF  }
0x98: {  	s19 =	sld [smem:$0x3FDB];
	_ =	sdelay $0x1  }
0x99: {  	s4 =	simm.s32 $_scs_section_size  }
0x9a: {  	s5 =	simm.s32 $_size__tile_overlayer_lowered;
	s6 =	simm.s32 $_tile_overlayer_lowered  }
0x9b: {  	s22 =	simm.s32 $0x1BFF;
	s21 =	sshll.u32 s6, $0x1;
	s3 =	sadd.s32 s4, s19  }
0x9c: {  	s7 =	simm.s32 $0x0;
	s20 =	sshll.u32 s5, $0x1;
	s5 =	sadd.s32 s21, s3  }
0x9d: {  	[timem:s7], [sflag:s22] =	dma.local [hbm:s5], s20  }
0x9e: {  	_ =	swait.ge [sflag:s22], s20  }
0x9f: {  	s4 =	ssub.s32 $0x0, s20;
	[sflag:s22] =	ssyncset.done $0x0  }
0xa0: {  	[sflag:s22] =	ssyncadd.s32 s4;
	_ =	sdelay $0x1  }
0xa1: {  	s23 =	simm.s32 $0x1B8B  }
0xa2: {  	_ =	swait.ge [sflag:s23], $0x1  }
0xa3: {  	[sflag:s23] =	ssyncset.done $0x0  }
0xa4: {  	s25 =	simm.s32 $0x1B8E;
	s24 =	sld [smem:$0x3FFE];
	[sflag:s23] =	ssyncadd.s32 $0xFFFFFFFF  }
0xa5: {  	s26 =	simm.s32 $execute0_lowered;
	[smem:$0x3FD2] =	sst s25  }
0xa6: {  	s5 =	sshll.u32 s26, $0x1;
	_ =	strace $0x80000046;
	[dreg:$0x1] =	wrdreg $0xFFFFFFFF  }
0xa7: {  	s28 =	simm.s32 $_size_execute0_lowered;
	s3 =	sadd.s32 s3, s5;
	[dreg:$0x0] =	wrdreg $0x0  }
0xa8: {  	s5 =	sshll.u32 s28, $0x1;
	[dreg:$0x2] =	wrdreg s3  }
0xa9: {  	[dreg:$0x3] =	wrdreg s5  }
0xaa: {  	[dreg:$0x4] =	wrdreg $0xC0  }
0xab: {  	_ =	task [dreg:s7], $0x5FFFF  }
0xac: {  	[dreg:$0x1] =	wrdreg $0xFFFFFFFF  }
0xad: {  	[dreg:$0x0] =	wrdreg $0x60  }
0xae: {  	[dreg:$0x2] =	wrdreg s24  }
0xaf: {  	[dreg:$0x3] =	wrdreg s2  }
0xb0: {  	[dreg:$0x4] =	wrdreg $0x9  }
0xb1: {  	_ =	task.clear_ibuf [dreg:s7], $0x5FFFF;
	_ =	strace $0x90000046  }
0xb2: {  	s29 =	simm.s32 $0x9;
	_ =	strace $0x80000048  }
0xb3: {  	_ =	swait.ge [sflag:s29], $0x1  }
0xb4: {  	[sflag:s29] =	ssyncadd.s32 $0xFFFFFFFF  }
0xb5: {  	_ =	strace $0x90000048  }
0xb6: {  	_ =	sfence  }
0xb7: {  	s30 =	sld [smem:$0x0];
	_ =	sdelay $0x2  }
0xb8: {  	s31 =	sshll.u32 s1, $0xD;
	s1 =	sshrl.u32 s1, $0x2  }
0xb9: {  	s3 =	sand.u32 $0x4000, s31;
	s1 =	sadd.s32 s1, s30  }
0xba: {  	s0 =	sor.u32 s3, s0;
	s1 =	sshll.u32 s1, $0x11  }
0xbb: {  	s0 =	sor.u32 s1, s0  }
0xbc: {  	s0 =	sadd.s32 $0x8F2B, s0  }
0xbd: {  	[sflag:s0] =	ssyncadd.remote.s32 $0x1  }
0xbe: {  	_ =	sfence.sel $0xFFFF  }
0xbf: {  	[dreg:$0x0] =	wrdreg $0xFFFFFFFF;
	(pc) =	sbr.abs _section_cstart, $3  }
0xc0: {  	[dreg:$0x1] =	wrdreg $0xFFFFFFFF  }
0xc1: {  	_ =	task.clear_ibuf [dreg:s7], $0x2FFFF;
	_ =	strace $0x9FFFFFFF  }
0xc2: {  	(tm) =	ssettm $0x7FFFFFFF  }
0xc3: {  	_ =	shalt  }
tec
execute0_lowered:
.L_overlay_start_1:
0x0: {  	(tag) =	ssettag $0x1  }
0x1: {  	s1 =	srdreg.scid;
	s7 =	rddreg [dreg:$0x0]  }
0x2: {  	s0 =	stileid.u32;
	s2 =	rddreg [dreg:$0x1];
	s3 =	simm.s32 $0x0  }
0x3: {  	s9 =	simm.s32 $0x1;
	s5 =	sand.u32 $0x1, s1;
	s24 =	sshll.u32 s0, $0x1  }
0x4: {  	s16 =	simm.s32 $0x14500;
	s1 =	rddreg [dreg:$0x2];
	s6 =	sor.u32 s5, s24  }
0x5: {  	s19 =	simm.s32 $0x0;
	[smem:$0x7FF] =	sst s3;
	s8 =	smul.u32 $0xFFE, s6  }
0x6: {  	s10 =	sadd.s32 $0xE00, s7;
	_ =	strace $0x80000047;
	s5 =	ssub.s32 $0x2, s5  }
0x7: {  	s6 =	sshll.u32 s6, $0x8;
	s13 =	sshrl.u32 s8, $0x6;
	s4 =	sand.u32 $0x1C0, s8  }
0x8: {  	s25 =	sshrl.u32 s5, $0x1;
	p0 =	seq.s32 s13, $0x0;
	p1 =	sne.s32 s4, $0x0  }
0x9: {  	s14 =	sadd.s32 s6, s7;
	s15 =	ssub.s32 s5, s25;
	p0 =	por !p0, !p1  }
0xa: {  	s11 =	sshrl.u32 s8, $0x9;
	s28 =	sadd.s32 $0x7FE, s8;
	p0 =	por !p0, !p0  }
0xb: {  	s30 =	sadd.s32 $0xFFE, s8;
	s4 =	sadd.s32 $0x48E00, s7;
	s9 =	simm.s32 @!p0 $0x0  }
0xc: {  	s17 =	sshrl.u32 s28, $0x6;
	s18 =	sshrl.u32 s30, $0x6;
	s9 =	ssub.s32 s11, s9  }
0xd: {  	p1 =	sge.u32 s17, s18;
	p0 =	sge.u32 s13, s17;
	s12 =	sshll.u32 s9, $0x3  }
0xe: {  	s11 =	sadd.s32 $0x49000, s14;
	s29 =	smul.u32 $0x480, s9;
	s26 =	sadd.s32 $0x28, s12  }
.Ltmp0:
0xf: {  	s14 =	simm.s32 $0x14400;
	s5 =	sshrl.u32 s26, $0x3;
	(pc) =	sbr.rel .LBB2_1-.Ltmp0, $4  }
0x10: {  	s6 =	ssub.s32 s13, s12;
	s9 =	ssub.s32 s17, s12;
	s31 =	smul.u32 $0x480, s5  }
0x11: {  	s13 =	simm.s32 $0xB400;
	s17 =	simm.s32 $0x2;
	s7 =	sadd.s32 s10, s29  }
0x12: {  	s5 =	simm.s32 $0x1;
	s8 =	sadd.s32 s10, s31;
	s10 =	ssub.s32 s18, s12  }
0x13: {  	s12 =	smax.u32 s15, $0x1;
	s15 =	simm.s32 $0x3;
	s18 =	simm.s32 $0x14600  }
.LBB2_15:
0x14: {  	_ = 	snop  }
0x15: {  	_ = 	snop  }
0x16: {  	_ = 	snop  }
0x17: {  	_ = 	snop  }
0x18: {  	v18 =	vmov v39;
	v54 =	vimm.f32 $0.0e+00;
	v38 =	vimm.f32 $0.0e+00  }
0x19: {  	v16 =	vmovc v4;
	v15 =	vmovc v3;
	v48 =	vimm.f32 $0.0e+00;
	v49 =	vimm.f32 $0.0e+00;
	v51 =	vimm.f32 $0.0e+00  }
0x1a: {  	v9 =	vmovc v44;
	v27 =	vmovc v59;
	s22 =	simm.f32 $0.0e+00;
	v56 =	vimm.f32 $0.0e+00;
	v58 =	vimm.f32 $0.0e+00;
	v59 =	vimm.f32 $0.0e+00  }
.LBB2_24:
0x1b: {  	v0 =	vmul.f32 v43, v7;
	v1 =	vmul.f32 v45, v61  }
0x1c: {  	v2 =	vmul.f32 v47, v6;
	v4 =	vmul.f32 v53, v18  }
0x1d: {  	v3 =	vmul.f32 v42, v5;
	v43 =	vmul.f32 v55, v8  }
0x1e: {  	v0 =	vadd.f32 v1, v0;
	v45 =	vadd.f32 v4, v2  }
0x1f: {  	v47 =	vadd.f32 v43, v3  }
0x20: {  	v0 =	vadd.f32 v0, v9;
	v1 =	vadd.f32 v45, v15;
	_ =	sdelay $0x1  }
0x21: {  	v2 =	vadd.f32 v47, v16;
	v50 =	vadd.f32 v1, v0;
	_ =	sdelay $0x1  }
0x22: {  	v3 =	vadd.f32 v2, v50;
	_ =	sdelay $0x1  }
0x23: {  	v4, _, _ =	vpop @p2 (xrf2);
	(xrf2) =	vadd.scan.msk.f32 $0xffff, v3  }
0x24: {  	(v2sf) =	vpush @p2 v4, $0xF;
	_ =	sdelay $0x3  }
0x25: {  	p5 =	slt.f32 @p3 s23, $0.0e+00  }
0x26: {  	p6 =	sgt.f32 @p3 s23, $0.0e+00  }
0x27: {  	s23 =	simm.f32 $1.000000000e+00;
	p5 =	por !p5, !p3  }
0x28: {  	s23 =	simm.s32 @p5 $0x0;
	p5 =	por !p6, !p3  }
0x29: {  	v10 =	vmov v20;
	s23 =	simm.s32 @!p5 $0x3F800000  }
0x2a: {  	v5 =	vadd.f32 @p4 v12, v54;
	v53 =	vld [tilespmem:$0x1FE50];
	v10 =	vadd.s32 v10, v14;
	v4 =	vmul.f32 @p3 s23, v57;
	v52, _, _ =	vpop (xrf2)  }
0x2b: {  	v7 =	vmovc @p3 v19;
	v55 =	vld [tilespmem:$0x1FE20];
	v6 =	vmul.f32 @p3 s23, v32;
	v3 =	vadd.s32 @p2 v20, v28;
	(v2sf) =	vpush v52, $0xF  }
0x2c: {  	v8 =	vmovc @p3 v36;
	v9 =	vmul.f32 @p3 s23, v41;
	v7 =	vmul.f32 @p3 s23, v7;
	v3 =	vor.u32 @p2 v31, v3  }
0x2d: {  	v10 =	vor.u32 v13, v10;
	v13 =	vld [tilespmem:$0x1FE30];
	v8 =	vmul.f32 @p3 s23, v8;
	v11 =	vmul.f32 @p3 s23, v29  }
0x2e: {  	v19 =	vmovc @p2 v21;
	v5 =	vpsel p4, v5, v35;
	v12 =	vmul.f32 @p3 s23, v33;
	v16 =	vmul.f32 @p3 s23, v39  }
0x2f: {  	v21 =	vmovc @p2 v34;
	v54 =	vld [tilespmem:$0x1FDF0];
	v19 =	vpsel p2, v19, v53;
	v4 =	vadd.f32 @p3 v4, v38;
	v6 =	vadd.f32 @p3 v6, v48  }
0x30: {  	v15 =	vmovc @p2 v44;
	v21 =	vpsel p2, v21, v55;
	v57 =	vld [tilespmem:$0x1FE10];
	v9 =	vadd.f32 @p3 v9, v49;
	v7 =	vadd.f32 @p3 v7, v51;
	s24 =	spop @p2 (v2sf)  }
0x31: {  	v14 =	vmov @p2 v15;
	v8 =	vadd.f32 @p3 v8, v56;
	v11 =	vadd.f32 @p3 v11, v58;
	v3 =	vld.idx.msk @p2 [tilespmem:v3+s3+$0x0], $0xffff;
	s21 =	smov.u32 @p2 s24  }
0x32: {  	v15 =	vld [tilespmem:$0x1FE00];
	v12 =	vadd.f32 @p3 v12, v59;
	v16 =	vpsel p3, v16, v0;
	v13 =	vpsel p2, v14, v13;
	p4 =	slt.f32 @p2 s21, $0.0e+00  }
0x33: {  	v56 =	vld [tilespmem:$0x1FE40];
	v5 =	vadd.f32 @p3 v16, v5;
	v4 =	vpsel p3, v4, v35;
	v6 =	vpsel p3, v6, v35;
	p5 =	sgt.f32 @p2 s21, $0.0e+00  }
0x34: {  	v9 =	vpsel p3, v9, v35;
	v7 =	vpsel p3, v7, v35;
	v8 =	vpsel p3, v8, v35;
	s21 =	simm.f32 $1.000000000e+00;
	p4 =	por !p4, !p2  }
0x35: {  	v11 =	vpsel p3, v11, v35;
	v20 =	vmovc @p2 v24;
	v24 =	vmov @p2 v26;
	v5 =	vpsel p3, v5, v35;
	s21 =	simm.s32 @p4 $0x0;
	p4 =	por !p5, !p2  }
0x36: {  	v20 =	vpsel p2, v20, v54;
	v24 =	vpsel p2, v24, v57;
	v3 =	vpsel p2, v3, v25;
	v25 =	vmovc @p2 v30;
	s21 =	simm.s32 @!p4 $0x3F800000  }
0x37: {  	v18 =	vmovc @p2 v46;
	v15 =	vpsel p2, v25, v15;
	v3 =	vmul.f32 @p2 s21, v3;
	v14 =	vmul.f32 @p2 s21, v21  }
0x38: {  	v18 =	vpsel p2, v18, v56;
	v15 =	vmul.f32 @p2 s21, v15;
	v13 =	vmul.f32 @p2 s21, v13  }
0x39: {  	v16 =	vmovc @p2 v19;
	v19 =	vmovc @p2 v20;
	v3 =	vadd.f32 @p2 v3, v4;
	v4 =	vmul.f32 @p2 s21, v18;
	v6 =	vadd.f32 @p2 v14, v6  }
0x3a: {  	v10 =	vld.idx.msk [tilespmem:v10+s3+$0x0], $0xffff;
	v14 =	vmul.f32 @p2 s21, v16;
	v16 =	vmul.f32 @p2 s21, v19;
	v13 =	vpsel p2, v13, v0;
	s31 =	spop (v2sf)  }
0x3b: {  	v5 =	vadd.f32 @p2 v13, v5;
	v4 =	vadd.f32 @p2 v4, v9;
	v9 =	vmul.f32 @p2 s21, v24;
	p4 =	slt.f32 s31, $0.0e+00  }
0x3c: {  	v12 =	vpsel p3, v12, v35;
	s24 =	simm.f32 $1.000000000e+00;
	v7 =	vadd.f32 @p2 v14, v7;
	v8 =	vadd.f32 @p2 v16, v8;
	v14 =	vld.idx.msk [tilespmem:v23+s3+$0x0], $0xffff;
	p5 =	sgt.f32 s31, $0.0e+00  }
0x3d: {  	v3 =	vpsel p2, v3, v35;
	v9 =	vadd.f32 @p2 v9, v11;
	v11 =	vadd.f32 @p2 v15, v12;
	v12 =	vld.idx.msk [tilespmem:v22+s3+$0x0], $0xffff;
	s24 =	simm.s32 @!p4 $0x0  }
0x3e: {  	v6 =	vpsel p2, v6, v35;
	v15 =	vld.idx.msk [tilespmem:v17+s3+$0x0], $0xffff;
	v4 =	vpsel p2, v4, v35;
	v7 =	vpsel p2, v7, v35;
	s24 =	simm.s32 @p5 $0x3F800000  }
0x3f: {  	s22 =	sadd.f32 @p3 s23, s22;
	v8 =	vpsel p2, v8, v35;
	v10 =	vmul.f32 s24, v10;
	v0 =	vmul.f32 s24, v0  }
0x40: {  	s23 =	simm.f32 $0.0e+00;
	v9 =	vpsel p2, v9, v35;
	v1 =	vmul.f32 s24, v1;
	v58 =	vmul.f32 s24, v2  }
0x41: {  	s23 =	smov.u32 @p3 s22;
	v16 =	vpsel p2, v11, v35;
	v59 =	vmul.f32 s24, v27;
	v60 =	vmul.f32 s24, v14  }
0x42: {  	s21 =	sadd.f32 @p2 s21, s23;
	v61 =	vmul.f32 s24, v12;
	v10 =	vadd.f32 v10, v3;
	v21 =	vadd.f32 v0, v6  }
0x43: {  	v62 =	vmul.f32 s24, v15;
	v11 =	vadd.f32 v1, v4;
	v12 =	vadd.f32 v58, v7  }
0x44: {  	v63 =	vpsel p2, v5, v35;
	s20 =	smov.u32 @p2 s21;
	v13 =	vadd.f32 v59, v8;
	v14 =	vadd.f32 v60, v9  }
0x45: {  	s20 =	sadd.f32 s24, s20;
	v9 =	vadd.f32 v61, v16;
	v15 =	vadd.f32 v62, v63  }
.LBB2_25:
0x46: {  	[tilespmem:$0x14680] =	vst v21  }
0x47: {  	[tilespmem:$0x14690] =	vst v11  }
0x48: {  	[tilespmem:$0x146A0] =	vst v12  }
0x49: {  	[tilespmem:$0x146B0] =	vst v13  }
0x4a: {  	[tilespmem:$0x146C0] =	vst v14  }
0x4b: {  	[tilespmem:$0x146F0] =	vst v10  }
0x4c: {  	s19 =	sadd.s32 $0x1, s19;
	[tilespmem:$0x146D0] =	vst v9  }
0x4d: {  	[tilespmem:$0x146E0] =	vst v15;
	v0 =	vmov s20;
	p2 =	sne.s32 s19, s12  }
.Ltmp1:
0x4e: {  	[tilespmem:$0x14A80] =	vst v0;
	(pc) =	sbr.rel @!p2 .LBB2_26-.Ltmp1, $4  }
0x4f: {  	[hbm4b:s11+s3] =	stream.linear.scatter [tilespmem:s18], [sflag:$0x3], $0x800, $0x38;
	[tilespmem:$0x14E00] =	vst v63  }
0x50: {  	_ =	swait.ge [sflag:s15], $0x800  }
0x51: {  	[sflag:s15] =	ssyncset.done $0x0  }
0x52: {  	[sflag:s15] =	ssyncadd.s32 $0xFFFFF800  }
.LBB2_1:
0x53: {  	[tilespmem:s3], [sflag:$0x1] =	stream.linear.gather [hbm4b:s7+s3], $0xB400, $0x38;
	[tilespmem:$0x14E00] =	vst v63  }
0x54: {  	_ = 	snop  }
0x55: {  	[tilespmem:s13], [sflag:$0x2] =	stream.linear.gather [hbm4b:s8+s3], $0x9000, $0x38;
	[tilespmem:$0x14E00] =	vst v63  }
0x56: {  	_ = 	snop  }
0x57: {  	[tilespmem:s14], [sflag:$0x3] =	stream.linear.gather [hbm4b:s2+s3], $0x100, $0x38;
	[tilespmem:$0x14E00] =	vst v63  }
0x58: {  	_ =	swait.ge [sflag:s15], $0x100  }
0x59: {  	[sflag:s15] =	ssyncset.done $0x0  }
0x5a: {  	[sflag:s15] =	ssyncadd.s32 $0xFFFFFF00  }
0x5b: {  	[tilespmem:s16], [sflag:$0x3] =	stream.linear.gather [hbm4b:s4+s3], $0x100, $0x38;
	[tilespmem:$0x14E00] =	vst v63  }
0x5c: {  	_ =	swait.ge [sflag:s15], $0x100  }
0x5d: {  	[sflag:s15] =	ssyncset.done $0x0  }
0x5e: {  	[sflag:s15] =	ssyncadd.s32 $0xFFFFFF00  }
0x5f: {  	v9 =	vld [tilespmem:$0x14400]  }
0x60: {  	v17 =	vld [tilespmem:$0x14410]  }
0x61: {  	v19 =	vld [tilespmem:$0x14420]  }
0x62: {  	v1 =	vld [tilespmem:$0x14430]  }
0x63: {  	v20 =	vld [tilespmem:$0x14440]  }
0x64: {  	v18 =	vld [tilespmem:$0x14450]  }
0x65: {  	v33 =	vld [tilespmem:$0x14460]  }
0x66: {  	v43 =	vld [tilespmem:$0x14470]  }
0x67: {  	v37 =	vld [tilespmem:$0x14480]  }
0x68: {  	v63 =	vld [tilespmem:$0x14490]  }
0x69: {  	v47 =	vld [tilespmem:$0x144A0]  }
0x6a: {  	v7 =	vld [tilespmem:$0x14500]  }
0x6b: {  	v6 =	vld [tilespmem:$0x14510]  }
0x6c: {  	v5 =	vld [tilespmem:$0x14520]  }
0x6d: {  	v61 =	vld [tilespmem:$0x14530]  }
0x6e: {  	v39 =	vld [tilespmem:$0x14540]  }
0x6f: {  	v8 =	vld [tilespmem:$0x14550]  }
.Ltmp2:
0x70: {  	v44 =	vld [tilespmem:$0x14560];
	(pc) =	sbr.rel @p0 .LBB2_13-.Ltmp2, $4  }
0x71: {  	v21 =	vimm.f32 $0.0e+00;
	v11 =	vimm.f32 $0.0e+00;
	v3 =	vld [tilespmem:$0x14570]  }
0x72: {  	v12 =	vimm.f32 $0.0e+00;
	v13 =	vimm.f32 $0.0e+00;
	v14 =	vimm.f32 $0.0e+00;
	v4 =	vld [tilespmem:$0x14580];
	_ =	swait.ge [sflag:s5], $0xB400  }
0x73: {  	v15 =	vimm.f32 $0.0e+00;
	v16 =	vimm.f32 $0.0e+00;
	v10 =	vimm.f32 $0.0e+00;
	[sflag:s5] =	ssyncset.done $0x0  }
0x74: {  	s20 =	simm.f32 $0.0e+00;
	s21 =	simm.f32 $0.0e+00;
	[sflag:s5] =	ssyncadd.s32 $0xFFFF4C00;
	v2 =	vand.u32 $0x7F, v9;
	v22 =	vshll.u32 v9, $0x3;
	v9 =	vimm.f32 $0.0e+00  }
0x75: {  	v9 =	vand.u32 $0xFFFFFC00, v22;
	v10 =	vshll.u32 v1, $0x3  }
0x76: {  	v11 =	vshll.u32 v17, $0x3;
	v12 =	vand.u32 $0x7F, v17;
	v0 =	vor.u32 v2, v9  }
0x77: {  	v9 =	vand.u32 $0x7F, v1;
	v10 =	vand.u32 $0xFFFFFC00, v10;
	v11 =	vand.u32 $0xFFFFFC00, v11  }
0x78: {  	v13 =	vor.u32 v9, v10;
	v14 =	vor.u32 v12, v11;
	v9 =	vshll.u32 v20, $0x3  }
0x79: {  	v10 =	vand.u32 $0x7F, v20;
	v11 =	vshll.u32 v19, $0x3;
	v9 =	vand.u32 $0xFFFFFC00, v9  }
0x7a: {  	v16 =	vor.u32 v10, v9;
	v9 =	vand.u32 $0x7F, v19;
	v10 =	vand.u32 $0xFFFFFC00, v11  }
0x7b: {  	v15 =	vor.u32 v9, v10;
	v9 =	vshll.u32 v18, $0x3;
	v10 =	vmov s6  }
0x7c: {  	v11 =	vand.u32 $0x7F, v18;
	v9 =	vand.u32 $0xFFFFFC00, v9;
	v52 =	vshrl.u32 v10, $0x3  }
0x7d: {  	[tilespmem:$0x1FF60] =	vst v17;
	v17 =	vor.u32 v11, v9;
	v9 =	vshll.u32 v33, $0x3;
	v26 =	vmul.u32 $0x2400, v52  }
0x7e: {  	v10 =	vshll.u32 v10, $0x7;
	v11 =	vand.u32 $0x7F, v33;
	v9 =	vand.u32 $0xFFFFFC00, v9  }
0x7f: {  	v24 =	vand.u32 $0x380, v10;
	v21 =	vor.u32 v11, v9;
	v9 =	vadd.s32 v15, v26  }
0x80: {  	[tilespmem:$0x1FF70] =	vst v20;
	v53 =	vshll.u32 v43, $0x3;
	v11 =	vadd.s32 v0, v26;
	v9 =	vor.u32 v24, v9  }
0x81: {  	v54 =	vshll.u32 v63, $0x3;
	[tilespmem:$0x1FFB0] =	vst v13;
	v13 =	vadd.s32 v13, v26;
	v11 =	vor.u32 v24, v11  }
0x82: {  	[tilespmem:$0x1FF80] =	vst v19;
	v12 =	vand.u32 $0xFFFFFC00, v53;
	v45 =	vmovc v14;
	v14 =	vadd.s32 v14, v26;
	v13 =	vor.u32 v24, v13  }
0x83: {  	[tilespmem:$0x1FFC0] =	vst v18;
	v19 =	vshll.u32 v37, $0x3;
	v46 =	vmovc v16;
	v16 =	vadd.s32 v16, v26;
	v14 =	vor.u32 v24, v14  }
0x84: {  	[tilespmem:$0x1FFD0] =	vst v1;
	v10 =	vand.u32 $0x7F, v43;
	v16 =	vor.u32 v24, v16;
	v42 =	vmovc v21;
	v21 =	vadd.s32 v21, v26  }
0x85: {  	s22 =	sadd.s32 $0x1, s6;
	v49 =	vor.u32 v10, v12;
	v20 =	vadd.s32 v17, v26;
	v10 =	vor.u32 v24, v21;
	v55 =	vld.idx.msk [tilespmem:v9+s3+$0x0], $0xffff  }
0x86: {  	v57 =	vand.u32 $0x7F, v47;
	p5 =	slt.s32 s22, s9;
	[tilespmem:$0x1FFA0] =	vst v0;
	v19 =	vand.u32 $0xFFFFFC00, v19;
	v9 =	vor.u32 v24, v20;
	v56 =	vld.idx.msk [tilespmem:v11+s3+$0x0], $0xffff  }
.Ltmp3:
0x87: {  	[tilespmem:$0x1FF90] =	vst v15;
	v12 =	vand.u32 $0xFFFFFC00, v54;
	v15 =	vand.u32 $0x7F, v37;
	v0 =	vimm.f32 $0.0e+00;
	v58 =	vld.idx.msk [tilespmem:v13+s3+$0x0], $0xffff;
	(pc) =	sbr.rel @!p5 .LBB2_3-.Ltmp3, $4  }
0x88: {  	[tilespmem:$0x1FFE0] =	vst v2;
	v50 =	vor.u32 v15, v19;
	v15 =	vshll.u32 v47, $0x3;
	v11 =	vand.u32 $0x7F, v63;
	v60 =	vld.idx.msk [tilespmem:v14+s3+$0x0], $0xffff  }
0x89: {  	[tilespmem:$0x1FFF0] =	vst v22;
	v15 =	vand.u32 $0xFFFFFC00, v15;
	v59 =	vadd.s32 v50, v26;
	v27 =	vld.idx.msk [tilespmem:v16+s3+$0x0], $0xffff;
	v53 =	vor.u32 v11, v12  }
0x8a: {  	s21 =	simm.f32 $0.0e+00;
	v23 =	vor.u32 v57, v15;
	v11 =	vadd.s32 v49, v26;
	v32 =	vld.idx.msk [tilespmem:v10+s3+$0x0], $0xffff;
	v62 =	vadd.s32 v53, v26  }
0x8b: {  	p2 =	por $0x0, $0x0;
	p3 =	por $0x0, $0x0;
	p4 =	por $0x0, $0x0;
	v35 =	vor.u32 v24, v59;
	v36 =	vor.u32 v24, v11;
	v30 =	vor.u32 v24, v62;
	v29 =	vld.idx.msk [tilespmem:v9+s3+$0x0], $0xffff  }
0x8c: {  	v41 =	vmov v17;
	v12 =	vmul.f32 v56, v7;
	v13 =	vmul.f32 v58, v61;
	v17 =	vld [tilespmem:$0x1FF90]  }
0x8d: {  	v9 =	vmov s22  }
0x8e: {  	v10 =	vshrl.u32 v9, $0x3;
	v12 =	vadd.f32 v13, v12;
	v13 =	vld [tilespmem:$0x1FFA0]  }
0x8f: {  	v14 =	vmul.f32 v60, v6;
	v10 =	vmul.u32 $0x2400, v10;
	v15 =	vmul.f32 v27, v39  }
0x90: {  	v11 =	vmul.f32 v55, v5;
	v9 =	vshll.u32 v9, $0x7;
	v16 =	vmul.f32 v29, v8  }
0x91: {  	v9 =	vand.u32 $0x380, v9;
	v14 =	vadd.f32 v15, v14;
	v15 =	vld [tilespmem:$0x1FFB0];
	v19 =	vadd.s32 v17, v10  }
0x92: {  	v19 =	vor.u32 v9, v19;
	v11 =	vadd.f32 v16, v11;
	v16 =	vadd.s32 v45, v10  }
0x93: {  	v38 =	vadd.f32 v12, v44;
	v13 =	vadd.s32 v13, v10;
	v12 =	vor.u32 v9, v16  }
0x94: {  	v20 =	vor.u32 v9, v13  }
0x95: {  	v16 =	vadd.s32 v46, v10;
	v13 =	vld.idx.msk [tilespmem:v36+s3+$0x0], $0xffff  }
0x96: {  	v17 =	vld.idx.msk [tilespmem:v30+s3+$0x0], $0xffff;
	v62 =	vadd.f32 v14, v3;
	v14 =	vor.u32 v9, v16;
	v15 =	vadd.s32 v15, v10  }
0x97: {  	v16 =	vadd.s32 v41, v10;
	v15 =	vor.u32 v9, v15;
	v55 =	vld.idx.msk [tilespmem:v19+s3+$0x0], $0xffff  }
0x98: {  	s22 =	sadd.s32 $0x1, s22;
	v21 =	vadd.s32 v42, v10;
	v19 =	vor.u32 v9, v16;
	v60 =	vld.idx.msk [tilespmem:v12+s3+$0x0], $0xffff  }
0x99: {  	p5 =	slt.s32 s22, s9;
	v16 =	vadd.f32 v11, v4;
	v11 =	vadd.f32 v62, v38;
	v56 =	vld.idx.msk [tilespmem:v20+s3+$0x0], $0xffff;
	v20 =	vor.u32 v9, v21  }
.Ltmp4:
0x9a: {  	[tilespmem:$0x1FF40] =	vst v13;
	v13 =	vld.idx.msk [tilespmem:v35+s3+$0x0], $0xffff;
	(pc) =	sbr.rel @!p5 .LBB2_5-.Ltmp4, $4  }
0x9b: {  	v11 =	vadd.f32 v16, v11;
	v27 =	vld.idx.msk [tilespmem:v14+s3+$0x0], $0xffff  }
0x9c: {  	v12 =	vadd.s32 v49, v10;
	v58 =	vld.idx.msk [tilespmem:v15+s3+$0x0], $0xffff  }
0x9d: {  	[tilespmem:$0x1FF50] =	vst v17;
	v14 =	vadd.s32 v50, v10;
	(xrf2) =	vadd.scan.msk.f32 $0xffff, v11;
	v11 =	vadd.s32 v53, v10;
	v29 =	vld.idx.msk [tilespmem:v19+s3+$0x0], $0xffff  }
0x9e: {  	p2 =	por $0x1, $0x1;
	v36 =	vor.u32 v9, v12;
	v35 =	vor.u32 v9, v14;
	v30 =	vor.u32 v9, v11;
	v40 =	vld.idx.msk [tilespmem:v20+s3+$0x0], $0xffff  }
0x9f: {  	_ =	sdelay $0x2  }
0xa0: {  	v1 =	vld [tilespmem:$0x1FF90]  }
0xa1: {  	v11 =	vmov s22  }
0xa2: {  	v12 =	vshrl.u32 v11, $0x3  }
0xa3: {  	v21 =	vmul.u32 $0x2400, v12;
	_ =	sdelay $0x1  }
0xa4: {  	v12 =	vadd.s32 v23, v26;
	v26 =	vadd.s32 v1, v21;
	v1 =	vld [tilespmem:$0x1FFA0];
	v14, _, _ =	vpop (xrf2)  }
0xa5: {  	v11 =	vshll.u32 v11, $0x7;
	(v2sf) =	vpush v14, $0xF  }
0xa6: {  	[tilespmem:$0x1FED0] =	vst v63;
	v19 =	vmul.f32 v60, v6;
	v20 =	vmul.f32 v27, v39;
	v63 =	vand.u32 $0x380, v11  }
0xa7: {  	v11 =	vmul.f32 v56, v7;
	v24 =	vor.u32 v24, v12;
	v14 =	vmul.f32 v58, v61  }
0xa8: {  	v15 =	vmul.f32 v55, v5;
	v25 =	vmul.f32 v29, v8;
	v26 =	vor.u32 v63, v26  }
0xa9: {  	v19 =	vadd.f32 v20, v19;
	v11 =	vadd.f32 v14, v11;
	v14 =	vadd.s32 v1, v21;
	v1 =	vld [tilespmem:$0x1FFB0]  }
0xaa: {  	v52 =	vld.idx.msk [tilespmem:v30+s3+$0x0], $0xffff;
	v15 =	vadd.f32 v25, v15;
	v25 =	vadd.s32 v45, v21;
	v27 =	vor.u32 v63, v14  }
0xab: {  	v12 =	vld.idx.msk [tilespmem:v36+s3+$0x0], $0xffff;
	v31 =	vadd.f32 v11, v44;
	v11 =	vor.u32 v63, v25;
	v25 =	vadd.s32 v46, v21  }
0xac: {  	v54 =	vadd.f32 v19, v3;
	v48 =	vld.idx.msk [tilespmem:v24+s3+$0x0], $0xffff;
	v19 =	vor.u32 v63, v25;
	v25 =	vadd.s32 v41, v21  }
0xad: {  	[tilespmem:$0x1FEE0] =	vst v32;
	v24 =	vadd.s32 v42, v21;
	v55 =	vld.idx.msk [tilespmem:v26+s3+$0x0], $0xffff;
	v25 =	vor.u32 v63, v25  }
0xae: {  	s23 =	sadd.s32 $0x1, s22;
	[tilespmem:$0x1FEF0] =	vst v13;
	v24 =	vor.u32 v63, v24;
	v14 =	vld.idx.msk [tilespmem:v35+s3+$0x0], $0xffff;
	v20 =	vadd.s32 v1, v21  }
0xaf: {  	p5 =	slt.s32 s23, s9;
	v34 =	vadd.f32 v15, v4;
	v15 =	vadd.f32 v54, v31;
	v20 =	vor.u32 v63, v20;
	v56 =	vld.idx.msk [tilespmem:v27+s3+$0x0], $0xffff  }
.Ltmp5:
0xb0: {  	[tilespmem:$0x1FF00] =	vst v38;
	v60 =	vld.idx.msk [tilespmem:v11+s3+$0x0], $0xffff;
	(pc) =	sbr.rel @!p5 .LBB2_7-.Ltmp5, $4  }
0xb1: {  	[tilespmem:$0x1FF10] =	vst v62;
	v15 =	vadd.f32 v34, v15;
	v27 =	vld.idx.msk [tilespmem:v19+s3+$0x0], $0xffff  }
0xb2: {  	[tilespmem:$0x1FF20] =	vst v16;
	v11 =	vadd.s32 v49, v21;
	v29 =	vld.idx.msk [tilespmem:v25+s3+$0x0], $0xffff  }
0xb3: {  	[tilespmem:$0x1FF30] =	vst v48;
	v19 =	vadd.s32 v50, v21;
	(xrf2) =	vadd.scan.msk.f32 $0xffff, v15;
	v15 =	vadd.s32 v53, v21;
	v25 =	vld.idx.msk [tilespmem:v24+s3+$0x0], $0xffff  }
0xb4: {  	p3 =	por $0x1, $0x1;
	v36 =	vor.u32 v63, v11;
	v35 =	vor.u32 v63, v19;
	v30 =	vor.u32 v63, v15;
	v58 =	vld.idx.msk [tilespmem:v20+s3+$0x0], $0xffff;
	s22 =	spop (v2sf)  }
0xb5: {  	_ = 	snop  }
0xb6: {  	v11 =	vmov s23;
	v1 =	vld [tilespmem:$0x1FF90]  }
0xb7: {  	v15 =	vshrl.u32 v11, $0x3;
	v11 =	vshll.u32 v11, $0x7  }
0xb8: {  	v24 =	vand.u32 $0x380, v11  }
0xb9: {  	v11 =	vmul.f32 v56, v7;
	v26 =	vmul.u32 $0x2400, v15;
	v20 =	vmul.f32 v58, v61;
	_ =	sdelay $0x1  }
0xba: {  	v11 =	vadd.f32 v20, v11;
	v20 =	vadd.s32 v1, v26;
	v1 =	vld [tilespmem:$0x1FFA0];
	_ =	sdelay $0x2  }
0xbb: {  	[tilespmem:$0x1FEA0] =	vst v43;
	v10 =	vadd.s32 v23, v10;
	v27 =	vmul.f32 v27, v39;
	v15 =	vmul.f32 v60, v6  }
0xbc: {  	[tilespmem:$0x1FEB0] =	vst v37;
	p4 =	slt.f32 s22, $0.0e+00;
	v19 =	vmul.f32 v55, v5;
	v9 =	vor.u32 v9, v10;
	v29 =	vmul.f32 v29, v8;
	v28, _, _ =	vpop (xrf2)  }
0xbd: {  	[tilespmem:$0x1FEC0] =	vst v47;
	p5 =	sgt.f32 s22, $0.0e+00;
	s24 =	simm.f32 $1.000000000e+00;
	v15 =	vadd.f32 v27, v15;
	(v2sf) =	vpush v28, $0xF;
	v10 =	vadd.s32 v1, v26;
	v1 =	vld [tilespmem:$0x1FFB0]  }
0xbe: {  	v17 =	vmovc v23;
	v23 =	vmovc v8;
	v43 =	vld.idx.msk [tilespmem:v35+s3+$0x0], $0xffff;
	s24 =	simm.s32 @!p4 $0x0;
	v8 =	vmov v7;
	v7 =	vmov v5;
	v19 =	vadd.f32 v29, v19  }
0xbf: {  	v5 =	vmovc v4;
	s24 =	simm.s32 @p5 $0x3F800000;
	v59 =	vadd.f32 v15, v3;
	v15 =	vor.u32 v24, v20;
	v47 =	vadd.f32 v11, v44  }
0xc0: {  	v4 =	vmovc v3;
	v3 =	vmovc v44;
	v20 =	vadd.s32 v45, v26;
	v44 =	vadd.f32 v19, v5;
	v28 =	vmul.f32 s24, v48  }
0xc1: {  	v57 =	vld.idx.msk [tilespmem:v30+s3+$0x0], $0xffff;
	v20 =	vor.u32 v24, v20;
	v19 =	vadd.f32 v59, v47;
	v10 =	vor.u32 v24, v10  }
0xc2: {  	v37 =	vmovc v39;
	v51 =	vadd.f32 v28, v0;
	v28 =	vadd.s32 v46, v26;
	v11 =	vadd.s32 v1, v26;
	v1 =	vld [tilespmem:$0x1FF40]  }
0xc3: {  	v39 =	vld.idx.msk [tilespmem:v36+s3+$0x0], $0xffff;
	v18 =	vadd.f32 v44, v19;
	v19 =	vor.u32 v24, v28;
	v28 =	vadd.s32 v41, v26  }
0xc4: {  	v48 =	vld.idx.msk [tilespmem:v9+s3+$0x0], $0xffff;
	v9 =	vor.u32 v24, v28;
	v28 =	vmul.f32 s24, v38  }
0xc5: {  	v27 =	vadd.s32 v42, v26;
	v55 =	vld.idx.msk [tilespmem:v15+s3+$0x0], $0xffff;
	v11 =	vor.u32 v24, v11  }
0xc6: {  	s25 =	sadd.s32 $0x1, s23;
	v15 =	vadd.s32 v50, v26;
	v38 =	vmov v61;
	v61 =	vadd.f32 v28, v0;
	v56 =	vld.idx.msk [tilespmem:v10+s3+$0x0], $0xffff  }
0xc7: {  	p5 =	slt.s32 s25, s9;
	v28 =	vmul.f32 s24, v32;
	v10 =	vor.u32 v24, v27;
	v32 =	vmul.f32 s24, v1;
	v1 =	vld [tilespmem:$0x1FF50]  }
.Ltmp6:
0xc8: {  	v35 =	vor.u32 v24, v15;
	v60 =	vld.idx.msk [tilespmem:v20+s3+$0x0], $0xffff;
	v15 =	vmul.f32 s24, v16;
	v27 =	vadd.s32 v53, v26;
	(pc) =	sbr.rel @!p5 .LBB2_9-.Ltmp6, $4  }
0xc9: {  	v29 =	vadd.s32 v49, v26;
	v13 =	vmul.f32 s24, v13;
	(xrf2) =	vadd.scan.msk.f32 $0xffff, v18;
	v30 =	vor.u32 v24, v27;
	v27 =	vld.idx.msk [tilespmem:v19+s3+$0x0], $0xffff  }
0xca: {  	v36 =	vor.u32 v24, v29;
	v20 =	vadd.f32 v15, v0;
	v58 =	vld.idx.msk [tilespmem:v11+s3+$0x0], $0xffff;
	v11 =	vmul.f32 s24, v62  }
0xcb: {  	v29 =	vld.idx.msk [tilespmem:v9+s3+$0x0], $0xffff;
	v19 =	vadd.f32 v28, v0;
	v28 =	vimm.f32 $0.0e+00;
	v9 =	vadd.f32 v32, v0  }
0xcc: {  	[tilespmem:$0x1FE90] =	vst v33;
	p4 =	por $0x1, $0x1;
	s23 =	sadd.f32 s24, s21;
	v62 =	vadd.f32 v11, v0;
	v11 =	vld.idx.msk [tilespmem:v10+s3+$0x0], $0xffff;
	v10 =	vadd.f32 v13, v0;
	v15 =	vmul.f32 s24, v1;
	s24 =	spop (v2sf)  }
.LBB2_10:
0xcd: {  	_ = 	snop  }
0xce: {  	v16 =	vld.idx.msk [tilespmem:v35+s3+$0x0], $0xffff  }
0xcf: {  	v13 =	vmov s25;
	v32 =	vmovc v57;
	v33 =	vmovc v34;
	v35 =	vmul.f32 v56, v8;
	v1 =	vld [tilespmem:$0x1FFA0];
	v28 =	vadd.f32 v15, v28  }
0xd0: {  	p5 =	slt.f32 s24, $0.0e+00;
	v34 =	vmovc v44;
	v57 =	vld.idx.msk [tilespmem:v30+s3+$0x0], $0xffff;
	v0 =	vshrl.u32 v13, $0x3;
	v27 =	vmul.f32 v27, v37;
	v30 =	vmul.f32 v60, v6  }
0xd1: {  	p6 =	sgt.f32 s24, $0.0e+00;
	v22 =	vmovc v40;
	s24 =	simm.f32 $1.000000000e+00;
	v40 =	vmovc v25;
	v13 =	vshll.u32 v13, $0x7;
	v44 =	vmul.f32 v58, v38;
	v25 =	vmul.u32 $0x2400, v0;
	v0 =	vld [tilespmem:$0x1FF90]  }
0xd2: {  	s24 =	simm.s32 @!p5 $0x0;
	v55 =	vmul.f32 v55, v7;
	v29 =	vmul.f32 v29, v23;
	v27 =	vadd.f32 v27, v30  }
0xd3: {  	s24 =	simm.s32 @p6 $0x3F800000;
	v30 =	vadd.s32 v17, v21;
	v21 =	vmov v26;
	v26 =	vmov v25;
	v60, _, _ =	vpop (xrf2)  }
0xd4: {  	v48 =	vmul.f32 s24, v48;
	v2 =	vadd.s32 v1, v26;
	v1 =	vld [tilespmem:$0x1FFB0];
	(v2sf) =	vpush v60, $0xF  }
0xd5: {  	v13 =	vand.u32 $0x380, v13;
	v35 =	vadd.f32 v44, v35;
	v33 =	vmul.f32 s24, v33  }
0xd6: {  	v15 =	vmovc v59;
	v29 =	vadd.f32 v29, v55;
	v51 =	vadd.f32 v48, v51;
	v44 =	vadd.s32 v0, v25  }
0xd7: {  	v22 =	vmul.f32 s24, v22;
	v59 =	vadd.f32 v27, v4;
	v27 =	vor.u32 v63, v30;
	v63 =	vmovc v24;
	v24 =	vmovc v13  }
0xd8: {  	v0 =	vadd.f32 v35, v3;
	v55 =	vor.u32 v13, v44;
	v13 =	vor.u32 v24, v2  }
0xd9: {  	v20 =	vadd.f32 v33, v20;
	v44 =	vadd.f32 v29, v5;
	v30 =	vadd.s32 v1, v26  }
0xda: {  	v25 =	vmovc v11;
	v29 =	vadd.f32 v59, v0;
	v11 =	vor.u32 v24, v30;
	v30 =	vadd.s32 v45, v26  }
0xdb: {  	v18 =	vld.idx.msk [tilespmem:v36+s3+$0x0], $0xffff;
	v19 =	vadd.f32 v22, v19;
	v60 =	vor.u32 v24, v30;
	v30 =	vadd.s32 v46, v26  }
0xdc: {  	v36 =	vadd.s32 v42, v26;
	v29 =	vadd.f32 v44, v29;
	v48 =	vld.idx.msk [tilespmem:v27+s3+$0x0], $0xffff;
	v1 =	vor.u32 v24, v30  }
0xdd: {  	s25 =	sadd.s32 $0x1, s25;
	v58 =	vadd.s32 v49, v26;
	v56 =	vld.idx.msk [tilespmem:v13+s3+$0x0], $0xffff;
	v13 =	vor.u32 v24, v36;
	v30 =	vadd.s32 v41, v26  }
0xde: {  	p5 =	slt.s32 s25, s9;
	v55 =	vld.idx.msk [tilespmem:v55+s3+$0x0], $0xffff;
	v27 =	vadd.s32 v50, v26;
	(xrf2) =	vadd.scan.msk.f32 $0xffff, v29;
	v2 =	vor.u32 v24, v30  }
.Ltmp7:
0xdf: {  	v29 =	vmul.f32 s24, v31;
	v36 =	vor.u32 v24, v58;
	v31 =	vmovc v47;
	v47 =	vmovc v0;
	v0 =	vmul.f32 s24, v12;
	v58 =	vld.idx.msk [tilespmem:v11+s3+$0x0], $0xffff;
	(pc) =	sbr.rel @p5 .LBB2_10-.Ltmp7, $4  }
0xe0: {  	v35 =	vor.u32 v24, v27;
	v30 =	vadd.s32 v53, v26;
	v11 =	vmul.f32 s24, v54;
	v60 =	vld.idx.msk [tilespmem:v60+s3+$0x0], $0xffff  }
0xe1: {  	v12 =	vmovc v39;
	v61 =	vadd.f32 v29, v61;
	v9 =	vadd.f32 v0, v9;
	v27 =	vld.idx.msk [tilespmem:v1+s3+$0x0], $0xffff;
	v1 =	vmul.f32 s24, v14  }
0xe2: {  	v39 =	vmovc v18;
	v30 =	vor.u32 v24, v30;
	v54 =	vmov v15;
	v62 =	vadd.f32 v11, v62;
	v11 =	vld.idx.msk [tilespmem:v13+s3+$0x0], $0xffff  }
0xe3: {  	s23 =	sadd.f32 s24, s23;
	v15 =	vmul.f32 s24, v52;
	v52 =	vmovc v32;
	v14 =	vmovc v43;
	v43 =	vmov v16;
	v29 =	vld.idx.msk [tilespmem:v2+s3+$0x0], $0xffff;
	v10 =	vadd.f32 v1, v10;
	s24 =	spop (v2sf)  }
0xe4: {  	v45 =	vmov v31;
	v31 =	vmov v47;
	v47 =	vld [tilespmem:$0x1FEC0]  }
0xe5: {  	v1 =	vmovc v38;
	v38 =	vmovc v34;
	v49 =	vmov v40;
	v41 =	vmov v21;
	v21 =	vmov v63;
	v63 =	vld [tilespmem:$0x1FED0]  }
0xe6: {  	v42 =	vmovc v12;
	v46 =	vmovc v14;
	v34 =	vmov v44;
	v12 =	vmov v39;
	v39 =	vmov v37;
	v37 =	vld [tilespmem:$0x1FEB0]  }
0xe7: {  	v32 =	vmovc v25;
	v14 =	vmovc v43;
	v44 =	vmov v3;
	v3 =	vmov v4;
	v4 =	vmov v5;
	v43 =	vld [tilespmem:$0x1FEA0]  }
0xe8: {  	v5 =	vmovc v7;
	v7 =	vmovc v8;
	v8 =	vmov v23;
	v33 =	vld [tilespmem:$0x1FE90];
	v23 =	vmov v17;
	v40 =	vmov v11  }
.LBB2_12:
0xe9: {  	v0 =	vmul.f32 v56, v7;
	v22 =	vmov v1;
	v1 =	vmul.f32 v58, v1  }
0xea: {  	v2 =	vmul.f32 v60, v6;
	v11 =	vmul.f32 v27, v39  }
0xeb: {  	v13 =	vmul.f32 v55, v5;
	v16 =	vmul.f32 v29, v8  }
0xec: {  	v0 =	vadd.f32 v1, v0;
	v1 =	vadd.f32 v11, v2  }
0xed: {  	v2 =	vadd.f32 v16, v13  }
0xee: {  	v0 =	vadd.f32 v0, v44;
	v1 =	vadd.f32 v1, v3;
	_ =	sdelay $0x1  }
0xef: {  	v2 =	vadd.f32 v2, v4;
	v11 =	vadd.f32 v1, v0;
	_ =	sdelay $0x1  }
0xf0: {  	v11 =	vadd.f32 v2, v11;
	_ =	sdelay $0x1  }
0xf1: {  	v13, _, _ =	vpop @p2 (xrf2);
	(xrf2) =	vadd.scan.msk.f32 $0xffff, v11;
	_ =	sdelay $0x1  }
0xf2: {  	(v2sf) =	vpush @p2 v13, $0xF;
	_ =	sdelay $0x5  }
0xf3: {  	p5 =	slt.f32 @p3 s24, $0.0e+00  }
0xf4: {  	p6 =	sgt.f32 @p3 s24, $0.0e+00  }
0xf5: {  	s24 =	simm.f32 $1.000000000e+00;
	v60 =	vld [tilespmem:$0x1FEF0];
	p5 =	por !p5, !p3;
	v16, _, _ =	vpop (xrf2)  }
0xf6: {  	s24 =	simm.s32 @p5 $0x0;
	p5 =	por !p6, !p3;
	(v2sf) =	vpush v16, $0xF  }
0xf7: {  	v15 =	vadd.f32 @p4 v15, v28;
	v53 =	vimm.f32 $0.0e+00;
	s24 =	simm.s32 @!p5 $0x3F800000;
	v11 =	vadd.s32 @p2 v23, v41  }
0xf8: {  	v18 =	vmovc @p3 v49;
	v55 =	vld [tilespmem:$0x1FEE0];
	v13 =	vmul.f32 @p3 s24, v48;
	v17 =	vmul.f32 @p3 s24, v45;
	v11 =	vor.u32 @p2 v21, v11  }
0xf9: {  	v56 =	vld [tilespmem:$0x1FF30];
	v15 =	vpsel p4, v15, v53;
	v18 =	vmul.f32 @p3 s24, v18;
	v25 =	vmul.f32 @p3 s24, v46  }
0xfa: {  	v27 =	vmovc @p2 v57;
	v57 =	vld [tilespmem:$0x1FF00];
	v14 =	vpsel p2, v14, v60;
	v17 =	vadd.f32 @p3 v17, v61;
	v61 =	vmovc v22;
	v22 =	vmul.f32 @p3 s24, v42  }
0xfb: {  	v58 =	vld [tilespmem:$0x1FF10];
	v13 =	vadd.f32 @p3 v13, v51;
	v18 =	vadd.f32 @p3 v18, v19;
	v19 =	vmul.f32 @p3 s24, v52  }
0xfc: {  	v10 =	vadd.f32 @p3 v25, v10;
	v9 =	vadd.f32 @p3 v22, v9;
	v21 =	vmul.f32 @p3 s24, v54;
	v54 =	vld [tilespmem:$0x1FF20];
	s25 =	spop @p2 (v2sf);
	v16 =	vmovc @p3 v38  }
0xfd: {  	v19 =	vpsel p3, v19, v0;
	v13 =	vpsel p3, v13, v53;
	v11 =	vld.idx.msk @p2 [tilespmem:v11+s3+$0x0], $0xffff;
	s22 =	smov.u32 @p2 s25;
	v16 =	vmul.f32 @p3 s24, v16  }
0xfe: {  	v28 =	vmovc @p2 v34;
	v17 =	vpsel p3, v17, v53;
	v18 =	vpsel p3, v18, v53;
	v10 =	vpsel p3, v10, v53;
	p4 =	slt.f32 @p2 s22, $0.0e+00  }
0xff: {  	v23 =	vadd.s32 v23, v26;
	v21 =	vadd.f32 @p3 v21, v62;
	p5 =	sgt.f32 @p2 s22, $0.0e+00;
	v16 =	vadd.f32 @p3 v16, v20;
	v20 =	vmovc @p2 v59;
	v59 =	vld [tilespmem:$0x1FF40]  }
0x100: {  	v15 =	vadd.f32 @p3 v19, v15;
	v22 =	vmovc @p2 v31;
	v23 =	vor.u32 v24, v23;
	v9 =	vpsel p3, v9, v53;
	s22 =	simm.f32 $1.000000000e+00;
	p4 =	por !p4, !p2  }
0x101: {  	v29 =	vmovc @p2 v32;
	v22 =	vpsel p2, v22, v57;
	v21 =	vpsel p3, v21, v53;
	v25 =	vpsel p2, v28, v54;
	s22 =	simm.s32 @p4 $0x0;
	p4 =	por !p5, !p2  }
0x102: {  	v62 =	vld [tilespmem:$0x1FF50];
	v28 =	vpsel p2, v29, v55;
	v11 =	vpsel p2, v11, v56;
	v20 =	vpsel p2, v20, v58;
	s22 =	simm.s32 @!p4 $0x3F800000  }
0x103: {  	v19 =	vmovc @p2 v25;
	v16 =	vpsel p3, v16, v53;
	v11 =	vmul.f32 @p2 s22, v11;
	v22 =	vmul.f32 @p2 s22, v22  }
0x104: {  	v19 =	vmul.f32 @p2 s22, v19;
	v14 =	vmul.f32 @p2 s22, v14;
	v12 =	vpsel p2, v12, v59  }
0x105: {  	v25 =	vmovc @p2 v28;
	v11 =	vadd.f32 @p2 v11, v13;
	v13 =	vmul.f32 @p2 s22, v20;
	v17 =	vadd.f32 @p2 v22, v17;
	v22 =	vld.idx.msk [tilespmem:v23+s3+$0x0], $0xffff;
	s31 =	spop (v2sf)  }
0x106: {  	v26 =	vmovc @p2 v27;
	v20 =	vmul.f32 @p2 s22, v25;
	v16 =	vadd.f32 @p2 v19, v16;
	v12 =	vmul.f32 @p2 s22, v12;
	p4 =	slt.f32 s31, $0.0e+00  }
0x107: {  	v24 =	vpsel p2, v26, v62;
	s25 =	simm.f32 $1.000000000e+00;
	v10 =	vadd.f32 @p2 v14, v10;
	v13 =	vadd.f32 @p2 v13, v21;
	p5 =	sgt.f32 s31, $0.0e+00  }
0x108: {  	v19 =	vmul.f32 @p2 s22, v24;
	v18 =	vadd.f32 @p2 v20, v18;
	v9 =	vadd.f32 @p2 v12, v9;
	s25 =	simm.s32 @!p4 $0x0  }
0x109: {  	v20 =	vld.idx.msk [tilespmem:v36+s3+$0x0], $0xffff;
	v11 =	vpsel p2, v11, v53;
	v17 =	vpsel p2, v17, v53;
	v16 =	vpsel p2, v16, v53;
	s25 =	simm.s32 @p5 $0x3F800000  }
0x10a: {  	v14 =	vld.idx.msk [tilespmem:v35+s3+$0x0], $0xffff;
	v12 =	vpsel p3, v15, v53;
	v21 =	vpsel p2, v9, v53;
	v9 =	vmul.f32 s25, v22  }
0x10b: {  	v15 =	vpsel p2, v19, v0;
	v19 =	vld.idx.msk [tilespmem:v30+s3+$0x0], $0xffff;
	v13 =	vpsel p2, v13, v53;
	v0 =	vmul.f32 s25, v0  }
0x10c: {  	v22 =	vpsel p2, v10, v53;
	v1 =	vmul.f32 s25, v1;
	v10 =	vadd.f32 v9, v11  }
0x10d: {  	v9 =	vadd.f32 v0, v17;
	v0 =	vmul.f32 s25, v2;
	v2 =	vmul.f32 s25, v40  }
0x10e: {  	s23 =	sadd.f32 @p3 s24, s23;
	v18 =	vpsel p2, v18, v53;
	v11 =	vadd.f32 v1, v13;
	v1 =	vmul.f32 s25, v20;
	v20 =	vld [tilespmem:$0x1FF70]  }
0x10f: {  	s24 =	simm.f32 $0.0e+00;
	v15 =	vadd.f32 @p2 v15, v12;
	v17 =	vmul.f32 s25, v14;
	v13 =	vadd.f32 v2, v18;
	v18 =	vld [tilespmem:$0x1FFC0]  }
0x110: {  	s24 =	smov.u32 @p3 s23;
	v12 =	vadd.f32 v0, v16;
	v0 =	vmul.f32 s25, v19;
	v19 =	vld [tilespmem:$0x1FF80]  }
0x111: {  	s22 =	sadd.f32 @p2 s22, s24;
	v14 =	vadd.f32 v1, v21;
	v1 =	vpsel p2, v15, v53;
	v15 =	vadd.f32 v17, v22;
	v17 =	vld [tilespmem:$0x1FF60]  }
0x112: {  	v2 =	vld [tilespmem:$0x1FFE0]  }
0x113: {  	s21 =	smov.u32 @p2 s22;
	v22 =	vld [tilespmem:$0x1FFF0]  }
0x114: {  	s21 =	sadd.f32 s25, s21;
	v21 =	vimm.f32 $0.0e+00;
	v16 =	vadd.f32 v0, v1;
	v1 =	vld [tilespmem:$0x1FFD0]  }
.LBB2_13:
0x115: {  	[tilespmem:$0x14600] =	vst v9  }
0x116: {  	[tilespmem:$0x14610] =	vst v11  }
0x117: {  	[tilespmem:$0x14620] =	vst v12  }
0x118: {  	[tilespmem:$0x14630] =	vst v13  }
0x119: {  	[tilespmem:$0x14640] =	vst v14  }
0x11a: {  	[tilespmem:$0x14650] =	vst v15  }
0x11b: {  	[tilespmem:$0x14670] =	vst v10  }
.Ltmp8:
0x11c: {  	[tilespmem:$0x14660] =	vst v16;
	v0 =	vmov s21;
	(pc) =	sbr.rel @p1 .LBB2_25-.Ltmp8, $4  }
0x11d: {  	[tilespmem:$0x14A00] =	vst v0  }
0x11e: {  	v11 =	vimm.f32 $0.0e+00;
	_ =	swait.ge [sflag:s17], $0x9000  }
0x11f: {  	v12 =	vimm.f32 $0.0e+00;
	v13 =	vimm.f32 $0.0e+00;
	v14 =	vimm.f32 $0.0e+00;
	[sflag:s17] =	ssyncset.done $0x0  }
0x120: {  	v9 =	vimm.f32 $0.0e+00;
	v15 =	vimm.f32 $0.0e+00;
	v10 =	vimm.f32 $0.0e+00;
	[sflag:s17] =	ssyncadd.s32 $0xFFFF7000  }
0x121: {  	v0 =	vand.u32 $0xFFFFFC00, v22  }
0x122: {  	v10 =	vor.u32 v2, v0  }
0x123: {  	v0 =	vand.u32 $0x7F, v1;
	v1 =	vshll.u32 v1, $0x3;
	v2 =	vshll.u32 v17, $0x3  }
0x124: {  	v9 =	vand.u32 $0x7F, v17;
	v1 =	vand.u32 $0xFFFFFC00, v1;
	v2 =	vand.u32 $0xFFFFFC00, v2  }
0x125: {  	v11 =	vor.u32 v0, v1;
	v12 =	vor.u32 v9, v2;
	v0 =	vshll.u32 v20, $0x3  }
0x126: {  	v1 =	vand.u32 $0x7F, v20;
	v2 =	vshll.u32 v19, $0x3;
	v0 =	vand.u32 $0xFFFFFC00, v0  }
0x127: {  	v15 =	vor.u32 v1, v0;
	v0 =	vand.u32 $0x7F, v19;
	v1 =	vand.u32 $0xFFFFFC00, v2  }
0x128: {  	v16 =	vor.u32 v0, v1;
	v0 =	vshll.u32 v18, $0x3;
	v1 =	vmov s9  }
0x129: {  	v2 =	vand.u32 $0x7F, v18;
	v0 =	vand.u32 $0xFFFFFC00, v0;
	v9 =	vshrl.u32 v1, $0x3  }
0x12a: {  	v18 =	vor.u32 v2, v0;
	v0 =	vshll.u32 v33, $0x3;
	v14 =	vmul.u32 $0x2400, v9  }
0x12b: {  	v1 =	vshll.u32 v1, $0x7;
	v2 =	vand.u32 $0x7F, v33;
	v0 =	vand.u32 $0xFFFFFC00, v0  }
0x12c: {  	v13 =	vand.u32 $0x380, v1;
	v19 =	vor.u32 v2, v0;
	v0 =	vadd.s32 v16, v14  }
0x12d: {  	v35 =	vimm.f32 $0.0e+00;
	v2 =	vadd.s32 v10, v14;
	v0 =	vor.u32 v13, v0  }
0x12e: {  	v17 =	vshll.u32 v37, $0x3;
	[tilespmem:$0x1FE70] =	vst v10;
	v10 =	vadd.s32 v11, v14;
	v2 =	vor.u32 v13, v2  }
0x12f: {  	[tilespmem:$0x1FE80] =	vst v11;
	v1 =	vand.u32 $0x7F, v43;
	v11 =	vadd.s32 v12, v14;
	v10 =	vor.u32 v13, v10  }
0x130: {  	v9 =	vshll.u32 v43, $0x3;
	v33 =	vmovc v15;
	v15 =	vadd.s32 v15, v14;
	v11 =	vor.u32 v13, v11  }
0x131: {  	v9 =	vand.u32 $0xFFFFFC00, v9;
	v28 =	vmovc v18;
	v15 =	vor.u32 v13, v15;
	v29 =	vmovc v19;
	v19 =	vadd.s32 v19, v14  }
0x132: {  	s21 =	sadd.s32 $0x1, s9;
	v18 =	vadd.s32 v18, v14;
	v36 =	vor.u32 v1, v9;
	v1 =	vor.u32 v13, v19;
	v42 =	vld.idx.msk [tilespmem:v0+s3+$0x0], $0xffff  }
0x133: {  	p5 =	slt.s32 s21, s10;
	v17 =	vand.u32 $0xFFFFFC00, v17;
	v32 =	vmovc v12;
	v12 =	vand.u32 $0x7F, v37;
	v0 =	vor.u32 v13, v18;
	v43 =	vld.idx.msk [tilespmem:v2+s3+$0x0], $0xffff  }
.Ltmp9:
0x134: {  	v9 =	vshll.u32 v63, $0x3;
	v37 =	vor.u32 v12, v17;
	v12 =	vshll.u32 v47, $0x3;
	v45 =	vld.idx.msk [tilespmem:v10+s3+$0x0], $0xffff;
	(pc) =	sbr.rel @!p5 .LBB2_15-.Ltmp9, $4  }
0x135: {  	v9 =	vand.u32 $0xFFFFFC00, v9;
	v2 =	vand.u32 $0x7F, v63;
	v10 =	vand.u32 $0x7F, v47;
	v47 =	vld.idx.msk [tilespmem:v11+s3+$0x0], $0xffff  }
0x136: {  	[tilespmem:$0x1FE60] =	vst v16;
	v12 =	vand.u32 $0xFFFFFC00, v12;
	v53 =	vld.idx.msk [tilespmem:v15+s3+$0x0], $0xffff;
	v11 =	vadd.s32 v37, v14;
	v40 =	vor.u32 v2, v9  }
0x137: {  	s20 =	simm.f32 $0.0e+00;
	v20 =	vor.u32 v10, v12;
	v2 =	vadd.s32 v36, v14;
	v59 =	vld.idx.msk [tilespmem:v1+s3+$0x0], $0xffff;
	v12 =	vadd.s32 v40, v14  }
0x138: {  	p2 =	por $0x0, $0x0;
	p3 =	por $0x0, $0x0;
	p4 =	por $0x0, $0x0;
	v22 =	vor.u32 v13, v11;
	v23 =	vor.u32 v13, v2;
	v17 =	vor.u32 v13, v12;
	v55 =	vld.idx.msk [tilespmem:v0+s3+$0x0], $0xffff  }
0x139: {  	v9 =	vld [tilespmem:$0x1FE60]  }
0x13a: {  	v0 =	vmov s21  }
0x13b: {  	v1 =	vshrl.u32 v0, $0x3  }
0x13c: {  	v58 =	vmul.u32 $0x2400, v1;
	_ =	sdelay $0x1  }
0x13d: {  	v18 =	vadd.s32 v9, v58;
	v9 =	vld [tilespmem:$0x1FE70];
	_ =	sdelay $0x1  }
0x13e: {  	v0 =	vshll.u32 v0, $0x7  }
0x13f: {  	v11 =	vmul.f32 v43, v7;
	v56 =	vand.u32 $0x380, v0;
	v0 =	vmul.f32 v45, v61  }
0x140: {  	v1 =	vmul.f32 v47, v6  }
0x141: {  	v12 =	vmul.f32 v53, v39;
	v0 =	vadd.f32 v0, v11;
	v11 =	vadd.s32 v9, v58;
	v9 =	vld [tilespmem:$0x1FE80]  }
0x142: {  	v2 =	vmul.f32 v42, v5;
	v15 =	vmul.f32 v55, v8;
	v11 =	vor.u32 v56, v11  }
0x143: {  	v1 =	vadd.f32 v12, v1;
	v21 =	vor.u32 v56, v18  }
0x144: {  	v2 =	vadd.f32 v15, v2;
	v15 =	vadd.s32 v32, v58;
	v48 =	vadd.f32 v0, v44  }
0x145: {  	v51 =	vld.idx.msk [tilespmem:v23+s3+$0x0], $0xffff;
	v16 =	vadd.f32 v1, v3;
	v0 =	vor.u32 v56, v15;
	v15 =	vadd.s32 v33, v58  }
0x146: {  	v1 =	vor.u32 v56, v15;
	v12 =	vadd.s32 v9, v58;
	v9 =	vld.idx.msk [tilespmem:v17+s3+$0x0], $0xffff;
	v17 =	vadd.s32 v29, v58  }
0x147: {  	v15 =	vadd.s32 v28, v58;
	v43 =	vld.idx.msk [tilespmem:v11+s3+$0x0], $0xffff;
	v11 =	vor.u32 v56, v17  }
0x148: {  	s21 =	sadd.s32 $0x1, s21;
	v42 =	vld.idx.msk [tilespmem:v21+s3+$0x0], $0xffff;
	v21 =	vor.u32 v56, v15  }
0x149: {  	v19 =	vld.idx.msk [tilespmem:v22+s3+$0x0], $0xffff;
	p5 =	slt.s32 s21, s10;
	v15 =	vadd.f32 v2, v4;
	v2 =	vadd.f32 v16, v48;
	v12 =	vor.u32 v56, v12  }
.Ltmp10:
0x14a: {  	v47 =	vld.idx.msk [tilespmem:v0+s3+$0x0], $0xffff;
	(pc) =	sbr.rel @!p5 .LBB2_17-.Ltmp10, $4  }
0x14b: {  	v2 =	vadd.f32 v15, v2;
	v53 =	vld.idx.msk [tilespmem:v1+s3+$0x0], $0xffff  }
0x14c: {  	v0 =	vadd.s32 v36, v58;
	v27 =	vld.idx.msk [tilespmem:v11+s3+$0x0], $0xffff  }
0x14d: {  	v1 =	vadd.s32 v37, v58;
	(xrf2) =	vadd.scan.msk.f32 $0xffff, v2;
	v2 =	vadd.s32 v40, v58;
	v55 =	vld.idx.msk [tilespmem:v21+s3+$0x0], $0xffff  }
0x14e: {  	p2 =	por $0x1, $0x1;
	v23 =	vor.u32 v56, v0;
	v22 =	vor.u32 v56, v1;
	v17 =	vor.u32 v56, v2;
	v45 =	vld.idx.msk [tilespmem:v12+s3+$0x0], $0xffff  }
0x14f: {  	_ =	sdelay $0x5  }
0x150: {  	v0 =	vmov s21  }
0x151: {  	v1 =	vshrl.u32 v0, $0x3;
	v0 =	vshll.u32 v0, $0x7  }
0x152: {  	v50 =	vand.u32 $0x380, v0;
	v2, _, _ =	vpop (xrf2)  }
0x153: {  	v10 =	vld [tilespmem:$0x1FE60];
	v0 =	vmul.f32 v43, v7;
	(v2sf) =	vpush v2, $0xF;
	v2 =	vmul.f32 v45, v61;
	_ =	sdelay $0x1  }
0x154: {  	v0 =	vadd.f32 v2, v0;
	v2 =	vld [tilespmem:$0x1FE70]  }
0x155: {  	v52 =	vmul.u32 $0x2400, v1;
	_ =	sdelay $0x1  }
0x156: {  	v26 =	vadd.s32 v10, v52;
	v10 =	vld [tilespmem:$0x1FE80]  }
0x157: {  	v14 =	vadd.s32 v20, v14;
	v12 =	vmul.f32 v53, v39;
	v1 =	vmul.f32 v47, v6  }
0x158: {  	v11 =	vmul.f32 v42, v5;
	v13 =	vor.u32 v13, v14;
	v2 =	vadd.s32 v2, v52  }
0x159: {  	v30 =	vld.idx.msk [tilespmem:v22+s3+$0x0], $0xffff;
	v24 =	vmov v39;
	[tilespmem:$0x1FDF0] =	vst v59;
	v1 =	vadd.f32 v12, v1;
	v2 =	vor.u32 v50, v2  }
0x15a: {  	v39 =	vld.idx.msk [tilespmem:v17+s3+$0x0], $0xffff;
	v21 =	vmul.f32 v55, v8;
	v17 =	vadd.s32 v33, v52;
	v14 =	vor.u32 v50, v26  }
0x15b: {  	[tilespmem:$0x1FE00] =	vst v19;
	v41 =	vadd.f32 v1, v3;
	v1 =	vor.u32 v50, v17;
	v12 =	vadd.s32 v10, v52  }
0x15c: {  	v11 =	vadd.f32 v21, v11;
	v21 =	vadd.s32 v32, v52;
	v26 =	vld.idx.msk [tilespmem:v23+s3+$0x0], $0xffff;
	v12 =	vor.u32 v50, v12  }
0x15d: {  	v25 =	vld.idx.msk [tilespmem:v13+s3+$0x0], $0xffff;
	v13 =	vadd.s32 v29, v52;
	v34 =	vadd.f32 v0, v44;
	v0 =	vor.u32 v50, v21  }
0x15e: {  	s22 =	sadd.s32 $0x1, s21;
	[tilespmem:$0x1FE10] =	vst v51;
	v17 =	vadd.s32 v28, v52;
	v43 =	vld.idx.msk [tilespmem:v2+s3+$0x0], $0xffff;
	v2 =	vor.u32 v50, v13  }
0x15f: {  	p5 =	slt.s32 s22, s10;
	v42 =	vld.idx.msk [tilespmem:v14+s3+$0x0], $0xffff;
	v14 =	vor.u32 v50, v17;
	v21 =	vadd.f32 v11, v4;
	v11 =	vadd.f32 v41, v34  }
.Ltmp11:
0x160: {  	[tilespmem:$0x1FE20] =	vst v48;
	v53 =	vld.idx.msk [tilespmem:v1+s3+$0x0], $0xffff;
	(pc) =	sbr.rel @!p5 .LBB2_19-.Ltmp11, $4  }
0x161: {  	[tilespmem:$0x1FE30] =	vst v9;
	v45 =	vld.idx.msk [tilespmem:v12+s3+$0x0], $0xffff;
	v11 =	vadd.f32 v21, v11  }
0x162: {  	[tilespmem:$0x1FE40] =	vst v16;
	v1 =	vadd.s32 v37, v52;
	v47 =	vld.idx.msk [tilespmem:v0+s3+$0x0], $0xffff  }
0x163: {  	[tilespmem:$0x1FE50] =	vst v15;
	v0 =	vadd.s32 v36, v52;
	(xrf2) =	vadd.scan.msk.f32 $0xffff, v11;
	v11 =	vadd.s32 v40, v52;
	v60 =	vld.idx.msk [tilespmem:v2+s3+$0x0], $0xffff  }
0x164: {  	p3 =	por $0x1, $0x1;
	v22 =	vor.u32 v50, v1;
	v55 =	vld.idx.msk [tilespmem:v14+s3+$0x0], $0xffff;
	v23 =	vor.u32 v50, v0;
	v17 =	vor.u32 v50, v11;
	s21 =	spop (v2sf)  }
0x165: {  	_ =	sdelay $0x1  }
0x166: {  	v0 =	vmov s22  }
0x167: {  	v1 =	vshrl.u32 v0, $0x3  }
0x168: {  	v12 =	vmul.f32 v53, v24;
	v10 =	vld [tilespmem:$0x1FE60];
	v14 =	vmul.u32 $0x2400, v1;
	v1 =	vmul.f32 v47, v6;
	_ =	sdelay $0x1  }
0x169: {  	p4 =	slt.f32 s21, $0.0e+00;
	v0 =	vshll.u32 v0, $0x7;
	v1 =	vadd.f32 v12, v1  }
0x16a: {  	p5 =	sgt.f32 s21, $0.0e+00;
	s23 =	simm.f32 $1.000000000e+00;
	v11 =	vmul.f32 v45, v61;
	v13 =	vand.u32 $0x380, v0;
	v0 =	vmul.f32 v43, v7  }
0x16b: {  	v2 =	vmul.f32 v42, v5;
	s23 =	simm.s32 @!p4 $0x0;
	v38 =	vmul.f32 v55, v8;
	v46 =	vadd.f32 v1, v3;
	v1 =	vld [tilespmem:$0x1FE70];
	v31, _, _ =	vpop (xrf2)  }
0x16c: {  	s23 =	simm.s32 @p5 $0x3F800000;
	v0 =	vadd.f32 v11, v0;
	v12 =	vadd.s32 v10, v14;
	v10 =	vld [tilespmem:$0x1FE80];
	(v2sf) =	vpush v31, $0xF  }
0x16d: {  	v63 =	vld.idx.msk [tilespmem:v22+s3+$0x0], $0xffff;
	v11 =	vadd.s32 v20, v58;
	v22 =	vadd.s32 v32, v14;
	v48 =	vmul.f32 s23, v48  }
0x16e: {  	v54 =	vmul.f32 s23, v59;
	v58 =	vmul.f32 s23, v51;
	v55 =	vor.u32 v13, v22  }
0x16f: {  	v2 =	vadd.f32 v38, v2;
	v62 =	vadd.f32 v0, v44;
	v0 =	vor.u32 v56, v11  }
0x170: {  	[tilespmem:$0x1FDE0] =	vst v25;
	v12 =	vor.u32 v13, v12;
	v31 =	vmul.f32 s23, v25;
	v25 =	vmovc v61;
	v1 =	vadd.s32 v1, v14  }
0x171: {  	v61 =	vld.idx.msk [tilespmem:v23+s3+$0x0], $0xffff;
	v11 =	vadd.s32 v10, v14;
	v10 =	vmovc v8;
	v8 =	vmov v7;
	v1 =	vor.u32 v13, v1  }
0x172: {  	v7 =	vmovc v6;
	v6 =	vmovc v5;
	v5 =	vmov v4;
	v38 =	vadd.f32 v31, v35;
	v31 =	vadd.f32 v2, v4  }
0x173: {  	v11 =	vor.u32 v13, v11;
	v4 =	vmovc v3;
	v3 =	vmov v44;
	v44 =	vld.idx.msk [tilespmem:v17+s3+$0x0], $0xffff;
	v17 =	vadd.s32 v33, v14  }
0x174: {  	v59 =	vmul.f32 s23, v19;
	v47 =	vld.idx.msk [tilespmem:v55+s3+$0x0], $0xffff;
	v49 =	vor.u32 v13, v17;
	v17 =	vadd.s32 v28, v14  }
0x175: {  	s24 =	sadd.s32 $0x1, s22;
	v22 =	vadd.s32 v36, v14;
	v23 =	vadd.s32 v29, v14;
	v57 =	vld.idx.msk [tilespmem:v0+s3+$0x0], $0xffff;
	v0 =	vor.u32 v13, v17  }
0x176: {  	p5 =	slt.s32 s24, s10;
	v48 =	vadd.f32 v48, v35;
	v2 =	vadd.f32 v46, v62;
	v43 =	vld.idx.msk [tilespmem:v1+s3+$0x0], $0xffff;
	v1 =	vor.u32 v13, v23  }
.Ltmp12:
0x177: {  	v56 =	vadd.f32 v54, v35;
	v58 =	vadd.f32 v58, v35;
	v42 =	vld.idx.msk [tilespmem:v12+s3+$0x0], $0xffff;
	v12 =	vadd.s32 v37, v14;
	(pc) =	sbr.rel @!p5 .LBB2_21-.Ltmp12, $4  }
0x178: {  	v2 =	vadd.f32 v31, v2;
	v17 =	vadd.s32 v40, v14;
	v45 =	vld.idx.msk [tilespmem:v11+s3+$0x0], $0xffff;
	v11 =	vmul.f32 s23, v16  }
0x179: {  	v23 =	vor.u32 v13, v22;
	v22 =	vor.u32 v13, v12;
	v12 =	vmul.f32 s23, v15;
	v53 =	vld.idx.msk [tilespmem:v49+s3+$0x0], $0xffff  }
0x17a: {  	v59 =	vadd.f32 v59, v35;
	v54 =	vimm.f32 $0.0e+00;
	v17 =	vor.u32 v13, v17;
	(xrf2) =	vadd.scan.msk.f32 $0xffff, v2;
	v55 =	vld.idx.msk [tilespmem:v0+s3+$0x0], $0xffff  }
0x17b: {  	p4 =	por $0x1, $0x1;
	s22 =	sadd.f32 s23, s20;
	v49 =	vadd.f32 v11, v35;
	v51 =	vadd.f32 v12, v35;
	v12 =	vmul.f32 s23, v9;
	v11 =	vld.idx.msk [tilespmem:v1+s3+$0x0], $0xffff;
	s23 =	spop (v2sf)  }
.LBB2_22:
0x17c: {  	v9 =	vld [tilespmem:$0x1FE60]  }
0x17d: {  	v0 =	vmov s24  }
0x17e: {  	v1 =	vld.idx.msk [tilespmem:v23+s3+$0x0], $0xffff;
	v2 =	vmov v44;
	v18 =	vmov v27;
	v23 =	vshrl.u32 v0, $0x3  }
0x17f: {  	v44 =	vld.idx.msk [tilespmem:v17+s3+$0x0], $0xffff;
	v27 =	vmovc v60;
	v17 =	vmul.u32 $0x2400, v23;
	v23 =	vmul.f32 v47, v7;
	v60 =	vmul.f32 v53, v24;
	_ =	sdelay $0x1  }
0x180: {  	v23 =	vadd.f32 v60, v23;
	v60 =	vadd.s32 v9, v17;
	v9 =	vld [tilespmem:$0x1FE70]  }
0x181: {  	v19 =	vmovc v21;
	v35 =	vld.idx.msk [tilespmem:v22+s3+$0x0], $0xffff;
	v21 =	vmov v31;
	v22 =	vmul.f32 v43, v8;
	v31 =	vmul.f32 v45, v25  }
0x182: {  	v42 =	vmul.f32 v42, v6;
	v54 =	vadd.f32 v12, v54  }
0x183: {  	v12 =	vmov v46;
	v0 =	vshll.u32 v0, $0x7;
	v22 =	vadd.f32 v31, v22;
	v53, _, _ =	vpop (xrf2)  }
0x184: {  	p5 =	slt.f32 s23, $0.0e+00;
	v46 =	vmul.f32 v55, v10;
	v31 =	vadd.s32 v20, v52;
	v52 =	vmovc v14;
	v14 =	vmovc v17;
	(v2sf) =	vpush v53, $0xF  }
0x185: {  	p6 =	sgt.f32 s23, $0.0e+00;
	s23 =	simm.f32 $1.000000000e+00;
	v53 =	vadd.f32 v22, v3;
	v17 =	vor.u32 v50, v31;
	v22 =	vadd.s32 v9, v14;
	v9 =	vld [tilespmem:$0x1FE80]  }
0x186: {  	v0 =	vand.u32 $0x380, v0;
	s23 =	simm.s32 @!p5 $0x0  }
0x187: {  	v16 =	vmovc v20;
	s23 =	simm.s32 @p6 $0x3F800000;
	v45 =	vadd.s32 v29, v14;
	v42 =	vadd.f32 v46, v42;
	v46 =	vadd.f32 v23, v4  }
0x188: {  	v57 =	vmul.f32 s23, v57;
	v20 =	vadd.s32 v36, v14;
	v50 =	vmovc v13;
	v13 =	vmovc v0;
	v43 =	vor.u32 v0, v60  }
0x189: {  	v31 =	vadd.f32 v42, v5;
	v0 =	vor.u32 v13, v22;
	v22 =	vadd.f32 v46, v53  }
0x18a: {  	v38 =	vadd.f32 v57, v38;
	v57 =	vld.idx.msk [tilespmem:v17+s3+$0x0], $0xffff;
	v17 =	vadd.s32 v37, v14;
	v23 =	vadd.s32 v9, v14  }
0x18b: {  	v60 =	vmovc v11;
	v22 =	vadd.f32 v31, v22;
	v11 =	vor.u32 v13, v23;
	v23 =	vadd.s32 v32, v14  }
0x18c: {  	v9 =	vmul.f32 s23, v34;
	v47 =	vor.u32 v13, v23;
	v23 =	vadd.s32 v33, v14  }
0x18d: {  	v18 =	vmul.f32 s23, v18;
	v42 =	vld.idx.msk [tilespmem:v43+s3+$0x0], $0xffff;
	(xrf2) =	vadd.scan.msk.f32 $0xffff, v22;
	v22 =	vor.u32 v13, v17;
	v55 =	vor.u32 v13, v23  }
0x18e: {  	s24 =	sadd.s32 $0x1, s24;
	v43 =	vld.idx.msk [tilespmem:v0+s3+$0x0], $0xffff;
	v0 =	vor.u32 v13, v45;
	v48 =	vadd.f32 v9, v48;
	v23 =	vadd.s32 v28, v14  }
0x18f: {  	p5 =	slt.s32 s24, s10;
	v15 =	vor.u32 v13, v23;
	v23 =	vor.u32 v13, v20;
	v20 =	vadd.s32 v40, v14  }
.Ltmp13:
0x190: {  	v9 =	vmul.f32 s23, v19;
	v17 =	vor.u32 v13, v20;
	v20 =	vmul.f32 s23, v30;
	v45 =	vld.idx.msk [tilespmem:v11+s3+$0x0], $0xffff;
	(pc) =	sbr.rel @p5 .LBB2_22-.Ltmp13, $4  }
0x191: {  	v56 =	vadd.f32 v18, v56;
	v19 =	vmul.f32 s23, v26;
	v11 =	vmul.f32 s23, v41;
	v47 =	vld.idx.msk [tilespmem:v47+s3+$0x0], $0xffff  }
0x192: {  	v34 =	vmovc v62;
	v62 =	vmovc v53;
	v26 =	vmov v61;
	v61 =	vmov v1;
	v51 =	vadd.f32 v9, v51;
	v53 =	vld.idx.msk [tilespmem:v55+s3+$0x0], $0xffff  }
0x193: {  	v58 =	vadd.f32 v19, v58;
	v30 =	vmovc v63;
	v63 =	vmov v35;
	v49 =	vadd.f32 v11, v49;
	v11 =	vld.idx.msk [tilespmem:v0+s3+$0x0], $0xffff  }
0x194: {  	s22 =	sadd.f32 s23, s22;
	v41 =	vmovc v12;
	v12 =	vmul.f32 s23, v39;
	s23 =	spop (v2sf);
	v39 =	vmovc v2;
	v59 =	vadd.f32 v20, v59;
	v55 =	vld.idx.msk [tilespmem:v15+s3+$0x0], $0xffff;
	v20 =	vmov v16  }
.Ltmp14:
0x195: {  	v18 =	vmov v24;
	v16 =	vmov v5;
	v15 =	vmov v4;
	(pc) =	sbr.rel .LBB2_24-.Ltmp14, $4  }
0x196: {  	v9 =	vmovc v3;
	v19 =	vmovc v21;
	v36 =	vmov v27;
	v32 =	vmov v34;
	v29 =	vmov v26  }
0x197: {  	v33 =	vmovc v30;
	v21 =	vmovc v31;
	v24 =	vmov v60;
	v28 =	vmov v52;
	v31 =	vmov v50  }
0x198: {  	v34 =	vmovc v62;
	v26 =	vmovc v61;
	v30 =	vmov v63;
	v5 =	vmov v6;
	v6 =	vmov v7  }
0x199: {  	v7 =	vmovc v8;
	v8 =	vmovc v10;
	v61 =	vmov v25;
	v35 =	vimm.f32 $0.0e+00;
	v25 =	vld [tilespmem:$0x1FDE0];
	v27 =	vmov v11  }
.LBB2_3:
0x19a: {  	_ = 	snop  }
0x19b: {  	_ = 	snop  }
0x19c: {  	_ = 	snop  }
.Ltmp15:
0x19d: {  	(pc) =	sbr.rel .LBB2_12-.Ltmp15, $4  }
0x19e: {  	_ = 	snop  }
0x19f: {  	v28 =	vimm.f32 $0.0e+00;
	v51 =	vimm.f32 $0.0e+00  }
0x1a0: {  	v1 =	vmovc v61;
	v61 =	vimm.f32 $0.0e+00;
	v62 =	vimm.f32 $0.0e+00;
	v20 =	vimm.f32 $0.0e+00  }
0x1a1: {  	s23 =	simm.f32 $0.0e+00;
	v19 =	vimm.f32 $0.0e+00;
	v9 =	vimm.f32 $0.0e+00;
	v10 =	vimm.f32 $0.0e+00;
	v40 =	vmovc v32  }
.LBB2_5:
0x1a2: {  	_ = 	snop  }
0x1a3: {  	_ = 	snop  }
0x1a4: {  	_ = 	snop  }
.Ltmp16:
0x1a5: {  	(pc) =	sbr.rel .LBB2_12-.Ltmp16, $4  }
0x1a6: {  	v1 =	vmov v61;
	v28 =	vimm.f32 $0.0e+00  }
0x1a7: {  	v51 =	vimm.f32 $0.0e+00;
	v59 =	vmovc v62;
	v34 =	vmovc v16;
	v41 =	vmov v26;
	v21 =	vmov v24  }
0x1a8: {  	v57 =	vld [tilespmem:$0x1FF50];
	v31 =	vmovc v38;
	v61 =	vimm.f32 $0.0e+00;
	v62 =	vimm.f32 $0.0e+00;
	v20 =	vimm.f32 $0.0e+00;
	v14 =	vmovc v13  }
0x1a9: {  	v12 =	vld [tilespmem:$0x1FF40];
	s23 =	simm.f32 $0.0e+00;
	v26 =	vmovc v10;
	v24 =	vmovc v9;
	v19 =	vimm.f32 $0.0e+00;
	v9 =	vimm.f32 $0.0e+00;
	v10 =	vimm.f32 $0.0e+00  }
.LBB2_17:
0x1aa: {  	v0 =	vmov v9  }
0x1ab: {  	v9 =	vmov v44;
	v44 =	vmov v0  }
0x1ac: {  	_ = 	snop  }
.Ltmp17:
0x1ad: {  	v18 =	vmov v39;
	(pc) =	sbr.rel .LBB2_24-.Ltmp17, $4  }
0x1ae: {  	v46 =	vmovc v16;
	v16 =	vmovc v4;
	v21 =	vmov v15;
	v15 =	vmov v3;
	v54 =	vimm.f32 $0.0e+00  }
0x1af: {  	v38 =	vimm.f32 $0.0e+00;
	v24 =	vmovc v59;
	v28 =	vmovc v14;
	v31 =	vmov v13;
	v34 =	vmov v48  }
0x1b0: {  	v48 =	vimm.f32 $0.0e+00;
	v49 =	vimm.f32 $0.0e+00;
	v26 =	vmovc v51;
	v51 =	vimm.f32 $0.0e+00;
	v30 =	vmovc v19  }
0x1b1: {  	s22 =	simm.f32 $0.0e+00;
	v14 =	vmovc v58;
	v13 =	vmovc v56;
	v56 =	vimm.f32 $0.0e+00;
	v58 =	vimm.f32 $0.0e+00;
	v59 =	vimm.f32 $0.0e+00  }
.LBB2_7:
.Ltmp18:
0x1b2: {  	v1 =	vmov v61;
	v28 =	vimm.f32 $0.0e+00;
	(pc) =	sbr.rel .LBB2_12-.Ltmp18, $4  }
0x1b3: {  	v51 =	vimm.f32 $0.0e+00;
	v57 =	vmovc v52;
	v59 =	vmovc v54;
	v49 =	vmov v32;
	v32 =	vmov v40  }
0x1b4: {  	v61 =	vimm.f32 $0.0e+00;
	v54 =	vmovc v62;
	v62 =	vimm.f32 $0.0e+00;
	v20 =	vimm.f32 $0.0e+00;
	v45 =	vmovc v38;
	v42 =	vld [tilespmem:$0x1FF40]  }
0x1b5: {  	v38 =	vmovc v16;
	v41 =	vmovc v10;
	v26 =	vmov v21;
	v21 =	vmov v9;
	v24 =	vmov v63;
	v52 =	vld [tilespmem:$0x1FF50]  }
0x1b6: {  	s24 =	smov.u32 s22;
	s23 =	simm.f32 $0.0e+00;
	v46 =	vmovc v13;
	v19 =	vimm.f32 $0.0e+00;
	v9 =	vimm.f32 $0.0e+00;
	v10 =	vimm.f32 $0.0e+00;
	v63 =	vld [tilespmem:$0x1FED0];
	v40 =	vmovc v25  }
.LBB2_19:
0x1b7: {  	v18 =	vmov v24  }
0x1b8: {  	v1 =	vmovc v16;
	v16 =	vmovc v4;
	v2 =	vmov v15;
	v15 =	vmov v3;
	v0 =	vmov v9  }
.Ltmp19:
0x1b9: {  	v9 =	vmovc v44;
	v54 =	vimm.f32 $0.0e+00;
	v38 =	vimm.f32 $0.0e+00;
	v44 =	vmovc v39;
	v46 =	vmov v41;
	(pc) =	sbr.rel .LBB2_24-.Ltmp19, $4  }
0x1ba: {  	v24 =	vmovc v27;
	v32 =	vmovc v48;
	v48 =	vimm.f32 $0.0e+00;
	v49 =	vimm.f32 $0.0e+00;
	v29 =	vmov v51  }
0x1bb: {  	v51 =	vimm.f32 $0.0e+00;
	v33 =	vmovc v19;
	v36 =	vmovc v59;
	v57 =	vmov v25;
	v28 =	vmov v58  }
0x1bc: {  	v14 =	vmovc v52;
	v31 =	vmovc v56;
	v13 =	vmov v50;
	v56 =	vimm.f32 $0.0e+00;
	v58 =	vimm.f32 $0.0e+00  }
0x1bd: {  	s23 =	smov.u32 s21;
	s22 =	simm.f32 $0.0e+00;
	v59 =	vimm.f32 $0.0e+00;
	v19 =	vmovc v2;
	v41 =	vmovc v1;
	v39 =	vmov v0;
	v27 =	vmov v60  }
.LBB2_9:
.Ltmp20:
0x1be: {  	v1 =	vmov v38;
	v45 =	vmov v31;
	v31 =	vmov v47;
	v47 =	vld [tilespmem:$0x1FEC0];
	(pc) =	sbr.rel .LBB2_12-.Ltmp20, $4  }
0x1bf: {  	v38 =	vmovc v34;
	v49 =	vmovc v40;
	v42 =	vmov v12;
	v41 =	vmov v21;
	v21 =	vmov v63;
	v63 =	vld [tilespmem:$0x1FED0]  }
0x1c0: {  	v46 =	vmovc v14;
	v28 =	vimm.f32 $0.0e+00;
	v34 =	vmovc v44;
	v12 =	vmov v39;
	v39 =	vmov v37;
	v37 =	vld [tilespmem:$0x1FEB0]  }
0x1c1: {  	v32 =	vmovc v25;
	v14 =	vmovc v43;
	v44 =	vmov v3;
	v3 =	vmov v4;
	v4 =	vmov v5;
	v43 =	vld [tilespmem:$0x1FEA0]  }
0x1c2: {  	v5 =	vmovc v7;
	v7 =	vmovc v8;
	v8 =	vmov v23;
	v33 =	vld [tilespmem:$0x1FE90];
	v23 =	vmov v17;
	v40 =	vmov v11  }
.LBB2_21:
.Ltmp21:
0x1c3: {  	v18 =	vmovc v24;
	v16 =	vmov v5;
	v15 =	vmov v4;
	v9 =	vmov v3;
	(pc) =	sbr.rel .LBB2_24-.Ltmp21, $4  }
0x1c4: {  	v19 =	vmovc v21;
	v36 =	vmovc v27;
	v32 =	vmov v34;
	v29 =	vmov v26;
	v33 =	vmov v30  }
0x1c5: {  	v54 =	vimm.f32 $0.0e+00;
	v21 =	vmovc v31;
	v24 =	vmovc v60;
	v28 =	vmov v52;
	v31 =	vmov v50  }
0x1c6: {  	v34 =	vmovc v62;
	v26 =	vmovc v61;
	v30 =	vmov v63;
	v5 =	vmov v6;
	v6 =	vmov v7  }
0x1c7: {  	v7 =	vmovc v8;
	v8 =	vmovc v10;
	v61 =	vmov v25;
	v35 =	vimm.f32 $0.0e+00;
	v25 =	vld [tilespmem:$0x1FDE0];
	v27 =	vmov v11  }
.LBB2_26:
0x1c8: {  	_ =	sfence.sel $0x180000  }
0x1c9: {  	[bflag:$0x0] =	sbarrier.arrive $0xFFFF  }
0x1ca: {  	p0 =	sne.s32 s0, $0x0;
	_ =	strace $0x90000047  }
0x1cb: {  	s0 =	sadd.s32 @!p0 $0x100000, s1;
	[bflag:$0x2] =	sbarrier.arrive $0xFFFF  }
0x1cc: {  	[sflag:s0] =	ssyncadd.tile.s32 @!p0 $0x1;
	_ =	shalt  }
.Lfunc_end2:
_tile_overlayer_lowered:
.L_overlay_start_2:
0x1cd: {  	(tag) =	ssettag $0x2  }
0x1ce: {  	s0 =	rddreg [dreg:$0x0];
	s2 =	stileid.u32  }
0x1cf: {  	s1 =	rddreg [dreg:$0x1];
	p0 =	sne.s32 s2, $0x0  }
0x1d0: {  	s3 =	rddreg [dreg:$0x2];
	[bflag:$0x3] =	sbarrier.arrive $0xFFFF;
	s2 =	simm.s32 @!p0 $0x1C03  }
0x1d1: {  	[timem:s3], [sflag:s2] =	dma.local @!p0 [hbm:s0], s1  }
0x1d2: {  	s0 =	simm.s32 @!p0 $0x3  }
0x1d3: {  	_ =	swait.ge @!p0 [sflag:s0], s1  }
0x1d4: {  	s1 =	ssub.s32 @!p0 $0x0, s1;
	[sflag:s0] =	ssyncset.done @!p0 $0x0  }
0x1d5: {  	[sflag:s0] =	ssyncadd.s32 @!p0 s1  }
0x1d6: {  	[bflag:$0x3] =	sbarrier.arrive $0xFFFF  }
0x1d7: {  	_ =	shalt  }

</sc_bundles>
